<compile_context>
chip_gen: v7x
topology: tpu7x:2x2x1
jax: 0.10.2.dev20260603
libtpu: 0.0.44.dev20260713+nightly
codegen_flags: <defaults>
</compile_context>

<pallas_src>
import jax
import jax.numpy as jnp
from jax import lax
from jax.experimental import pallas as pl
from jax.experimental.pallas import tpu as pltpu
from jax.experimental.pallas import tpu_sc as plsc

_NC = 2
_NS = 16
_NW = _NC * _NS
_BB = 128
_FP = 2


def _body(idx_hbm, tab_hbm, out_hbm, idx_v, rows_v,
          gsem0, gsem1, gsem2, ssem0, ssem1, ssem2):
    nf = out_hbm.shape[1] // 128
    wid = lax.axis_index("s") * _NC + lax.axis_index("c")
    nunit = idx_v.shape[0] // _FP
    u0 = wid * nunit
    pltpu.sync_copy(idx_hbm.at[wid], idx_v)

    def gathers(u, buf, sem):
        for k in range(_FP):
            pltpu.async_copy(tab_hbm.at[idx_v.at[u * _FP + k]],
                             buf.at[:, pl.ds(k * 128, 128)], sem)

    def out_slab(u):
        ug = u0 + u
        nfu = nf // _FP
        bb = ug // nfu
        f0 = (ug - bb * nfu) * _FP
        return out_hbm.at[pl.ds(bb * _BB, _BB), pl.ds(f0 * 128, _FP * 128)]

    def wait_gathers(buf, sem):
        pltpu.make_async_copy(
            out_hbm.at[pl.ds(0, _BB), pl.ds(0, _FP * 128)], buf, sem).wait()

    def scatter(u, buf, sem):
        pltpu.async_copy(buf, out_slab(u), sem)

    def wait_scatter(buf, u, sem):
        pltpu.make_async_copy(buf, out_slab(u), sem).wait()

    bufs = [rows_v.at[0], rows_v.at[1], rows_v.at[2]]
    gs = [gsem0, gsem1, gsem2]
    ss = [ssem0, ssem1, ssem2]

    gathers(0, bufs[0], gs[0])
    wait_gathers(bufs[0], gs[0])
    scatter(0, bufs[0], ss[0])
    gathers(1, bufs[1], gs[1])
    wait_gathers(bufs[1], gs[1])
    scatter(1, bufs[1], ss[1])
    gathers(2, bufs[2], gs[2])

    @pl.loop(0, (nunit - 4) // 3)
    def _tri(p):
        for k in range(3):
            u = 3 * p + 2 + k
            b = (2 + k) % 3
            bn = (b + 1) % 3
            wait_gathers(bufs[b], gs[b])
            scatter(u, bufs[b], ss[b])
            wait_scatter(bufs[bn], u - 2, ss[bn])
            gathers(u + 1, bufs[bn], gs[bn])

    for u in (nunit - 2, nunit - 1):
        b = u % 3
        bn = (b + 1) % 3
        wait_gathers(bufs[b], gs[b])
        scatter(u, bufs[b], ss[b])
        if u + 1 < nunit:
            wait_scatter(bufs[bn], u - 2, ss[bn])
            gathers(u + 1, bufs[bn], gs[bn])
    for u in (nunit - 3, nunit - 2, nunit - 1):
        wait_scatter(bufs[u % 3], u, ss[u % 3])


def kernel(x, tables):
    b, f = x.shape
    nf, vocab, d = tables.shape
    nbb = b // _BB
    rows_per_w = (nbb * nf * _BB) // _NW
    lists_per_w = rows_per_w // _BB
    flat_idx = (x.astype(jnp.int32)
                + jnp.arange(nf, dtype=jnp.int32)[None, :] * vocab)
    flat_idx = flat_idx.reshape(nbb, _BB, nf).transpose(0, 2, 1)
    flat_idx = flat_idx.reshape(_NW, lists_per_w, _BB)
    tab = tables.reshape(nf * vocab, d)
    out = pl.kernel(
        _body,
        out_type=jax.ShapeDtypeStruct((b, f * d), jnp.float32),
        mesh=plsc.VectorSubcoreMesh(core_axis_name="c", subcore_axis_name="s"),
        compiler_params=pltpu.CompilerParams(use_tc_tiling_on_sc=True),
        scratch_types=[
            pltpu.VMEM((lists_per_w, _BB), jnp.int32),
            pltpu.VMEM((3, _BB, _FP * d), jnp.float32),
        ] + [pltpu.SemaphoreType.DMA] * 6,
    )(flat_idx, tab)
    return out

# --- scband reference (transcript-rebuilt; emitter-appended) ---
"""Pipeline reference for scband-multi-embedding-10531259809856 (READ-ONLY COPY).

The authoritative reference and input builder live on the scoring server;
editing this copy changes nothing except your own understanding.
"""

import jax, jax.numpy as jnp
import numpy as np

NUM_FIELDS = 26
VOCAB = 100000
EMBED_DIM = 128
BATCH = 16384


def setup_inputs(seed: int = 0) -> dict:
    key = jax.random.key(seed)
    k_idx, k_tab = jax.random.split(key)
    x = jax.random.randint(k_idx, (BATCH, NUM_FIELDS), 0, VOCAB, dtype=jnp.int64 if jax.config.jax_enable_x64 else jnp.int32)
    # Stacked embedding tables: one [VOCAB, EMBED_DIM] table per field (all same size in this config).
    tables = jax.random.normal(k_tab, (NUM_FIELDS, VOCAB, EMBED_DIM), dtype=jnp.float32) * 0.02
    return {"x": x, "tables": tables}


def reference(x, tables):
    # Faithful translation of MultiEmbedding.forward with sequenced=False:
    # x: int[B, F]; for each field i, look up emb[i](x[:, i]) then concat on last dim.
    emb_list = []
    for i in range(NUM_FIELDS):
        emb_list.append(jnp.take(tables[i], x[:, i], axis=0))
    return jnp.concatenate(emb_list, axis=1)

if __name__ == "__main__":
    import jax
    _d = setup_inputs()
    print(jax.jit(kernel)(*tuple(_d.values())))

</pallas_src>

<mosaic_0001>
#map = affine_map<(d0, d1) -> (0, 0, 0)>
#map1 = affine_map<(d0, d1) -> (0, 0)>
module attributes {stable_mosaic.version = 14 : i64} {
  func.func @_body(%arg0: i32, %arg1: i32, %arg2: memref<32x104x128xi32, #tpu.memory_space<hbm>>, %arg3: memref<2600000x128xf32, #tpu.memory_space<hbm>>, %arg4: memref<16384x3328xf32, #tpu.memory_space<hbm>>, %arg5: memref<104x128xi32, #tpu.memory_space<vmem>>, %arg6: memref<3x128x256xf32, #tpu.memory_space<vmem>>, %arg7: memref<!tpu.dma_semaphore, #tpu.memory_space<semaphore_mem>>, %arg8: memref<!tpu.dma_semaphore, #tpu.memory_space<semaphore_mem>>, %arg9: memref<!tpu.dma_semaphore, #tpu.memory_space<semaphore_mem>>, %arg10: memref<!tpu.dma_semaphore, #tpu.memory_space<semaphore_mem>>, %arg11: memref<!tpu.dma_semaphore, #tpu.memory_space<semaphore_mem>>, %arg12: memref<!tpu.dma_semaphore, #tpu.memory_space<semaphore_mem>>) attributes {dimension_semantics = [#tpu.dimension_semantics<core_parallel>, #tpu.dimension_semantics<subcore_parallel>], iteration_bounds = array<i64: 2, 16>, scalar_prefetch = 0 : i64, scratch_operands = 8 : i64, tpu.core_type = #tpu.core_type<sc_vector_subcore>, window_params = [{transform_indices = #map}, {transform_indices = #map1}, {transform_indices = #map1}]} {
    %mul3A = arith.constant 2 : i32
    %mul3A_0 = arith.muli %arg1, %mul3A : i32
    %add3A = arith.addi %mul3A_0, %arg0 : i32
    %mul3A_1 = arith.constant 52 : i32
    %mul3A_2 = arith.muli %add3A, %mul3A_1 : i32
    "tpu.region"() ({
      %run_scoped3A = tpu.sem_alloc : memref<!tpu.dma_semaphore, #tpu.memory_space<semaphore_mem>>
      %dma_start3A_548 = arith.constant 0 : i32
      %dma_start3A_549 = arith.constant 0 : i32
      %dma_start3A_550 = tpu.memref_slice %arg2[%add3A, %dma_start3A_548, %dma_start3A_549] : memref<32x104x128xi32, #tpu.memory_space<hbm>> -> memref<1x104x128xi32, #tpu.memory_space<hbm>>
      %dma_start3A_551 = tpu.memref_squeeze %dma_start3A_550 : memref<1x104x128xi32, #tpu.memory_space<hbm>> -> memref<104x128xi32, #tpu.memory_space<hbm>>
      %dma_start3A_552 = arith.constant 0 : i32
      %dma_start3A_553 = arith.constant 0 : i32
      %dma_start3A_554 = tpu.memref_slice %arg2[%add3A, %dma_start3A_552, %dma_start3A_553] : memref<32x104x128xi32, #tpu.memory_space<hbm>> -> memref<1x104x128xi32, #tpu.memory_space<hbm>>
      %dma_start3A_555 = tpu.memref_squeeze %dma_start3A_554 : memref<1x104x128xi32, #tpu.memory_space<hbm>> -> memref<104x128xi32, #tpu.memory_space<hbm>>
      tpu.enqueue_dma source(%dma_start3A_555 : memref<104x128xi32, #tpu.memory_space<hbm>>) target(%arg5 : memref<104x128xi32, #tpu.memory_space<vmem>>) target_semaphore(%run_scoped3A : memref<!tpu.dma_semaphore, #tpu.memory_space<semaphore_mem>>)
      %dma_wait3A_556 = arith.constant 0 : i32
      %dma_wait3A_557 = arith.constant 0 : i32
      %dma_wait3A_558 = tpu.memref_slice %arg2[%add3A, %dma_wait3A_556, %dma_wait3A_557] : memref<32x104x128xi32, #tpu.memory_space<hbm>> -> memref<1x104x128xi32, #tpu.memory_space<hbm>>
      %dma_wait3A_559 = tpu.memref_squeeze %dma_wait3A_558 : memref<1x104x128xi32, #tpu.memory_space<hbm>> -> memref<104x128xi32, #tpu.memory_space<hbm>>
      %dma_wait3A_560 = arith.constant 0 : i32
      %dma_wait3A_561 = arith.constant 0 : i32
      %dma_wait3A_562 = tpu.memref_slice %arg2[%add3A, %dma_wait3A_560, %dma_wait3A_561] : memref<32x104x128xi32, #tpu.memory_space<hbm>> -> memref<1x104x128xi32, #tpu.memory_space<hbm>>
      %dma_wait3A_563 = tpu.memref_squeeze %dma_wait3A_562 : memref<1x104x128xi32, #tpu.memory_space<hbm>> -> memref<104x128xi32, #tpu.memory_space<hbm>>
      tpu.wait_dma2 semaphore(%run_scoped3A : memref<!tpu.dma_semaphore, #tpu.memory_space<semaphore_mem>>) src(%dma_wait3A_563 : memref<104x128xi32, #tpu.memory_space<hbm>>) dst(%arg5 : memref<104x128xi32, #tpu.memory_space<vmem>>)
      tpu.yield
    }) : () -> ()
    %dma_start3A = arith.constant 0 : i32
    %dma_start3A_3 = arith.constant 0 : i32
    %dma_start3A_4 = arith.constant 0 : i32
    %dma_start3A_5 = arith.constant 0 : i32
    %dma_start3A_6 = tpu.memref_slice %arg6[%dma_start3A_3, %dma_start3A_4, %dma_start3A_5] : memref<3x128x256xf32, #tpu.memory_space<vmem>> -> memref<1x128x256xf32, #tpu.memory_space<vmem>>
    %dma_start3A_7 = tpu.memref_squeeze %dma_start3A_6 : memref<1x128x256xf32, #tpu.memory_space<vmem>> -> memref<128x256xf32, #tpu.memory_space<vmem>>
    %dma_start3A_8 = arith.constant 0 : i32
    %dma_start3A_9 = arith.constant 0 : i32
    %dma_start3A_10 = tpu.memref_slice %dma_start3A_7[%dma_start3A_8, %dma_start3A_9] : memref<128x256xf32, #tpu.memory_space<vmem>> -> memref<128x128xf32, #tpu.memory_space<vmem>>
    %dma_start3A_11 = arith.constant 0 : i32
    %dma_start3A_12 = tpu.memref_slice %arg5[%dma_start3A, %dma_start3A_11] : memref<104x128xi32, #tpu.memory_space<vmem>> -> memref<1x128xi32, #tpu.memory_space<vmem>>
    %dma_start3A_13 = tpu.memref_squeeze %dma_start3A_12 : memref<1x128xi32, #tpu.memory_space<vmem>> -> memref<128xi32, #tpu.memory_space<vmem>>
    %dma_start3A_14 = arith.constant 0 : i32
    %dma_start3A_15 = arith.constant 0 : i32
    %dma_start3A_16 = tpu.memref_slice %arg3[%dma_start3A_14, %dma_start3A_15] : memref<2600000x128xf32, #tpu.memory_space<hbm>> -> memref<2600000x128xf32, #tpu.memory_space<hbm>>
    tpu.enqueue_indirect_dma source(%dma_start3A_16 : memref<2600000x128xf32, #tpu.memory_space<hbm>>) target(%dma_start3A_10 : memref<128x128xf32, #tpu.memory_space<vmem>>) offsets(%dma_start3A_13 : memref<128xi32, #tpu.memory_space<vmem>>) semaphore(%arg7 : memref<!tpu.dma_semaphore, #tpu.memory_space<semaphore_mem>>)
    %dma_start3A_17 = arith.constant 1 : i32
    %dma_start3A_18 = arith.constant 0 : i32
    %dma_start3A_19 = arith.constant 0 : i32
    %dma_start3A_20 = arith.constant 0 : i32
    %dma_start3A_21 = tpu.memref_slice %arg6[%dma_start3A_18, %dma_start3A_19, %dma_start3A_20] : memref<3x128x256xf32, #tpu.memory_space<vmem>> -> memref<1x128x256xf32, #tpu.memory_space<vmem>>
    %dma_start3A_22 = tpu.memref_squeeze %dma_start3A_21 : memref<1x128x256xf32, #tpu.memory_space<vmem>> -> memref<128x256xf32, #tpu.memory_space<vmem>>
    %dma_start3A_23 = arith.constant 0 : i32
    %dma_start3A_24 = arith.constant 128 : i32
    %dma_start3A_25 = tpu.memref_slice %dma_start3A_22[%dma_start3A_23, %dma_start3A_24] : memref<128x256xf32, #tpu.memory_space<vmem>> -> memref<128x128xf32, #tpu.memory_space<vmem>>
    %dma_start3A_26 = arith.constant 0 : i32
    %dma_start3A_27 = tpu.memref_slice %arg5[%dma_start3A_17, %dma_start3A_26] : memref<104x128xi32, #tpu.memory_space<vmem>> -> memref<1x128xi32, #tpu.memory_space<vmem>>
    %dma_start3A_28 = tpu.memref_squeeze %dma_start3A_27 : memref<1x128xi32, #tpu.memory_space<vmem>> -> memref<128xi32, #tpu.memory_space<vmem>>
    %dma_start3A_29 = arith.constant 0 : i32
    %dma_start3A_30 = arith.constant 0 : i32
    %dma_start3A_31 = tpu.memref_slice %arg3[%dma_start3A_29, %dma_start3A_30] : memref<2600000x128xf32, #tpu.memory_space<hbm>> -> memref<2600000x128xf32, #tpu.memory_space<hbm>>
    tpu.enqueue_indirect_dma source(%dma_start3A_31 : memref<2600000x128xf32, #tpu.memory_space<hbm>>) target(%dma_start3A_25 : memref<128x128xf32, #tpu.memory_space<vmem>>) offsets(%dma_start3A_28 : memref<128xi32, #tpu.memory_space<vmem>>) semaphore(%arg7 : memref<!tpu.dma_semaphore, #tpu.memory_space<semaphore_mem>>)
    %dma_wait3A = arith.constant 0 : i32
    %dma_wait3A_32 = arith.constant 0 : i32
    %dma_wait3A_33 = arith.constant 0 : i32
    %dma_wait3A_34 = tpu.memref_slice %arg6[%dma_wait3A, %dma_wait3A_32, %dma_wait3A_33] : memref<3x128x256xf32, #tpu.memory_space<vmem>> -> memref<1x128x256xf32, #tpu.memory_space<vmem>>
    %dma_wait3A_35 = tpu.memref_squeeze %dma_wait3A_34 : memref<1x128x256xf32, #tpu.memory_space<vmem>> -> memref<128x256xf32, #tpu.memory_space<vmem>>
    %dma_wait3A_36 = arith.constant 0 : i32
    %dma_wait3A_37 = arith.constant 0 : i32
    %dma_wait3A_38 = tpu.memref_slice %arg4[%dma_wait3A_36, %dma_wait3A_37] : memref<16384x3328xf32, #tpu.memory_space<hbm>> -> memref<128x256xf32, #tpu.memory_space<hbm>>
    %dma_wait3A_39 = arith.constant 0 : i32
    %dma_wait3A_40 = arith.constant 0 : i32
    %dma_wait3A_41 = tpu.memref_slice %arg6[%dma_wait3A, %dma_wait3A_39, %dma_wait3A_40] : memref<3x128x256xf32, #tpu.memory_space<vmem>> -> memref<1x128x256xf32, #tpu.memory_space<vmem>>
    %dma_wait3A_42 = tpu.memref_squeeze %dma_wait3A_41 : memref<1x128x256xf32, #tpu.memory_space<vmem>> -> memref<128x256xf32, #tpu.memory_space<vmem>>
    %dma_wait3A_43 = arith.constant 0 : i32
    %dma_wait3A_44 = arith.constant 0 : i32
    %dma_wait3A_45 = tpu.memref_slice %arg4[%dma_wait3A_43, %dma_wait3A_44] : memref<16384x3328xf32, #tpu.memory_space<hbm>> -> memref<128x256xf32, #tpu.memory_space<hbm>>
    tpu.wait_dma2 semaphore(%arg7 : memref<!tpu.dma_semaphore, #tpu.memory_space<semaphore_mem>>) src(%dma_wait3A_45 : memref<128x256xf32, #tpu.memory_space<hbm>>) dst(%dma_wait3A_42 : memref<128x256xf32, #tpu.memory_space<vmem>>)
    %add3A_46 = arith.constant 0 : i32
    %add3A_47 = arith.addi %mul3A_2, %add3A_46 : i32
    %jit3A = arith.constant 13 : i32
    %div3A = arith.divsi %add3A_47, %jit3A : i32
    %sign3A = arith.constant 0 : i32
    %sign3A_48 = arith.cmpi sgt, %add3A_47, %sign3A : i32
    %sign3A_49 = arith.extui %sign3A_48 : i1 to i32
    %sign3A_50 = arith.constant 0 : i32
    %sign3A_51 = arith.cmpi slt, %add3A_47, %sign3A_50 : i32
    %sign3A_52 = arith.extui %sign3A_51 : i1 to i32
    %sign3A_53 = arith.subi %sign3A_49, %sign3A_52 : i32
    %sign3A_54 = arith.constant 0 : i32
    %sign3A_55 = arith.cmpi sgt, %jit3A, %sign3A_54 : i32
    %sign3A_56 = arith.extui %sign3A_55 : i1 to i32
    %sign3A_57 = arith.constant 0 : i32
    %sign3A_58 = arith.cmpi slt, %jit3A, %sign3A_57 : i32
    %sign3A_59 = arith.extui %sign3A_58 : i1 to i32
    %sign3A_60 = arith.subi %sign3A_56, %sign3A_59 : i32
    %ne3A = arith.cmpi ne, %sign3A_53, %sign3A_60 : i32
    %rem3A = arith.remsi %add3A_47, %jit3A : i32
    %ne3A_61 = arith.constant 0 : i32
    %ne3A_62 = arith.cmpi ne, %rem3A, %ne3A_61 : i32
    %and3A = arith.andi %ne3A, %ne3A_62 : i1
    %sub3A = arith.constant 1 : i32
    %sub3A_63 = arith.subi %div3A, %sub3A : i32
    %select_n3A = arith.select %and3A, %sub3A_63, %div3A : i32
    %mul3A_64 = arith.constant 13 : i32
    %mul3A_65 = arith.muli %select_n3A, %mul3A_64 : i32
    %sub3A_66 = arith.subi %add3A_47, %mul3A_65 : i32
    %mul3A_67 = arith.constant 2 : i32
    %mul3A_68 = arith.muli %sub3A_66, %mul3A_67 : i32
    %mul3A_69 = arith.constant 128 : i32
    %mul3A_70 = arith.muli %select_n3A, %mul3A_69 : i32
    %mul3A_71 = arith.constant 128 : i32
    %mul3A_72 = arith.muli %mul3A_68, %mul3A_71 : i32
    %dma_start3A_73 = arith.constant 0 : i32
    %dma_start3A_74 = arith.constant 0 : i32
    %dma_start3A_75 = arith.constant 0 : i32
    %dma_start3A_76 = tpu.memref_slice %arg6[%dma_start3A_73, %dma_start3A_74, %dma_start3A_75] : memref<3x128x256xf32, #tpu.memory_space<vmem>> -> memref<1x128x256xf32, #tpu.memory_space<vmem>>
    %dma_start3A_77 = tpu.memref_squeeze %dma_start3A_76 : memref<1x128x256xf32, #tpu.memory_space<vmem>> -> memref<128x256xf32, #tpu.memory_space<vmem>>
    %dma_start3A_78 = tpu.memref_slice %arg4[%mul3A_70, %mul3A_72] : memref<16384x3328xf32, #tpu.memory_space<hbm>> -> memref<128x256xf32, #tpu.memory_space<hbm>>
    %dma_start3A_79 = tpu.memref_slice %arg4[%mul3A_70, %mul3A_72] : memref<16384x3328xf32, #tpu.memory_space<hbm>> -> memref<128x256xf32, #tpu.memory_space<hbm>>
    %dma_start3A_80 = arith.constant 0 : i32
    %dma_start3A_81 = arith.constant 0 : i32
    %dma_start3A_82 = tpu.memref_slice %arg6[%dma_start3A_73, %dma_start3A_80, %dma_start3A_81] : memref<3x128x256xf32, #tpu.memory_space<vmem>> -> memref<1x128x256xf32, #tpu.memory_space<vmem>>
    %dma_start3A_83 = tpu.memref_squeeze %dma_start3A_82 : memref<1x128x256xf32, #tpu.memory_space<vmem>> -> memref<128x256xf32, #tpu.memory_space<vmem>>
    tpu.enqueue_dma source(%dma_start3A_83 : memref<128x256xf32, #tpu.memory_space<vmem>>) target(%dma_start3A_79 : memref<128x256xf32, #tpu.memory_space<hbm>>) target_semaphore(%arg10 : memref<!tpu.dma_semaphore, #tpu.memory_space<semaphore_mem>>)
    %dma_start3A_84 = arith.constant 2 : i32
    %dma_start3A_85 = arith.constant 1 : i32
    %dma_start3A_86 = arith.constant 0 : i32
    %dma_start3A_87 = arith.constant 0 : i32
    %dma_start3A_88 = tpu.memref_slice %arg6[%dma_start3A_85, %dma_start3A_86, %dma_start3A_87] : memref<3x128x256xf32, #tpu.memory_space<vmem>> -> memref<1x128x256xf32, #tpu.memory_space<vmem>>
    %dma_start3A_89 = tpu.memref_squeeze %dma_start3A_88 : memref<1x128x256xf32, #tpu.memory_space<vmem>> -> memref<128x256xf32, #tpu.memory_space<vmem>>
    %dma_start3A_90 = arith.constant 0 : i32
    %dma_start3A_91 = arith.constant 0 : i32
    %dma_start3A_92 = tpu.memref_slice %dma_start3A_89[%dma_start3A_90, %dma_start3A_91] : memref<128x256xf32, #tpu.memory_space<vmem>> -> memref<128x128xf32, #tpu.memory_space<vmem>>
    %dma_start3A_93 = arith.constant 0 : i32
    %dma_start3A_94 = tpu.memref_slice %arg5[%dma_start3A_84, %dma_start3A_93] : memref<104x128xi32, #tpu.memory_space<vmem>> -> memref<1x128xi32, #tpu.memory_space<vmem>>
    %dma_start3A_95 = tpu.memref_squeeze %dma_start3A_94 : memref<1x128xi32, #tpu.memory_space<vmem>> -> memref<128xi32, #tpu.memory_space<vmem>>
    %dma_start3A_96 = arith.constant 0 : i32
    %dma_start3A_97 = arith.constant 0 : i32
    %dma_start3A_98 = tpu.memref_slice %arg3[%dma_start3A_96, %dma_start3A_97] : memref<2600000x128xf32, #tpu.memory_space<hbm>> -> memref<2600000x128xf32, #tpu.memory_space<hbm>>
    tpu.enqueue_indirect_dma source(%dma_start3A_98 : memref<2600000x128xf32, #tpu.memory_space<hbm>>) target(%dma_start3A_92 : memref<128x128xf32, #tpu.memory_space<vmem>>) offsets(%dma_start3A_95 : memref<128xi32, #tpu.memory_space<vmem>>) semaphore(%arg8 : memref<!tpu.dma_semaphore, #tpu.memory_space<semaphore_mem>>)
    %dma_start3A_99 = arith.constant 3 : i32
    %dma_start3A_100 = arith.constant 1 : i32
    %dma_start3A_101 = arith.constant 0 : i32
    %dma_start3A_102 = arith.constant 0 : i32
    %dma_start3A_103 = tpu.memref_slice %arg6[%dma_start3A_100, %dma_start3A_101, %dma_start3A_102] : memref<3x128x256xf32, #tpu.memory_space<vmem>> -> memref<1x128x256xf32, #tpu.memory_space<vmem>>
    %dma_start3A_104 = tpu.memref_squeeze %dma_start3A_103 : memref<1x128x256xf32, #tpu.memory_space<vmem>> -> memref<128x256xf32, #tpu.memory_space<vmem>>
    %dma_start3A_105 = arith.constant 0 : i32
    %dma_start3A_106 = arith.constant 128 : i32
    %dma_start3A_107 = tpu.memref_slice %dma_start3A_104[%dma_start3A_105, %dma_start3A_106] : memref<128x256xf32, #tpu.memory_space<vmem>> -> memref<128x128xf32, #tpu.memory_space<vmem>>
    %dma_start3A_108 = arith.constant 0 : i32
    %dma_start3A_109 = tpu.memref_slice %arg5[%dma_start3A_99, %dma_start3A_108] : memref<104x128xi32, #tpu.memory_space<vmem>> -> memref<1x128xi32, #tpu.memory_space<vmem>>
    %dma_start3A_110 = tpu.memref_squeeze %dma_start3A_109 : memref<1x128xi32, #tpu.memory_space<vmem>> -> memref<128xi32, #tpu.memory_space<vmem>>
    %dma_start3A_111 = arith.constant 0 : i32
    %dma_start3A_112 = arith.constant 0 : i32
    %dma_start3A_113 = tpu.memref_slice %arg3[%dma_start3A_111, %dma_start3A_112] : memref<2600000x128xf32, #tpu.memory_space<hbm>> -> memref<2600000x128xf32, #tpu.memory_space<hbm>>
    tpu.enqueue_indirect_dma source(%dma_start3A_113 : memref<2600000x128xf32, #tpu.memory_space<hbm>>) target(%dma_start3A_107 : memref<128x128xf32, #tpu.memory_space<vmem>>) offsets(%dma_start3A_110 : memref<128xi32, #tpu.memory_space<vmem>>) semaphore(%arg8 : memref<!tpu.dma_semaphore, #tpu.memory_space<semaphore_mem>>)
    %dma_wait3A_114 = arith.constant 1 : i32
    %dma_wait3A_115 = arith.constant 0 : i32
    %dma_wait3A_116 = arith.constant 0 : i32
    %dma_wait3A_117 = tpu.memref_slice %arg6[%dma_wait3A_114, %dma_wait3A_115, %dma_wait3A_116] : memref<3x128x256xf32, #tpu.memory_space<vmem>> -> memref<1x128x256xf32, #tpu.memory_space<vmem>>
    %dma_wait3A_118 = tpu.memref_squeeze %dma_wait3A_117 : memref<1x128x256xf32, #tpu.memory_space<vmem>> -> memref<128x256xf32, #tpu.memory_space<vmem>>
    %dma_wait3A_119 = arith.constant 0 : i32
    %dma_wait3A_120 = arith.constant 0 : i32
    %dma_wait3A_121 = tpu.memref_slice %arg4[%dma_wait3A_119, %dma_wait3A_120] : memref<16384x3328xf32, #tpu.memory_space<hbm>> -> memref<128x256xf32, #tpu.memory_space<hbm>>
    %dma_wait3A_122 = arith.constant 0 : i32
    %dma_wait3A_123 = arith.constant 0 : i32
    %dma_wait3A_124 = tpu.memref_slice %arg6[%dma_wait3A_114, %dma_wait3A_122, %dma_wait3A_123] : memref<3x128x256xf32, #tpu.memory_space<vmem>> -> memref<1x128x256xf32, #tpu.memory_space<vmem>>
    %dma_wait3A_125 = tpu.memref_squeeze %dma_wait3A_124 : memref<1x128x256xf32, #tpu.memory_space<vmem>> -> memref<128x256xf32, #tpu.memory_space<vmem>>
    %dma_wait3A_126 = arith.constant 0 : i32
    %dma_wait3A_127 = arith.constant 0 : i32
    %dma_wait3A_128 = tpu.memref_slice %arg4[%dma_wait3A_126, %dma_wait3A_127] : memref<16384x3328xf32, #tpu.memory_space<hbm>> -> memref<128x256xf32, #tpu.memory_space<hbm>>
    tpu.wait_dma2 semaphore(%arg8 : memref<!tpu.dma_semaphore, #tpu.memory_space<semaphore_mem>>) src(%dma_wait3A_128 : memref<128x256xf32, #tpu.memory_space<hbm>>) dst(%dma_wait3A_125 : memref<128x256xf32, #tpu.memory_space<vmem>>)
    %add3A_129 = arith.constant 1 : i32
    %add3A_130 = arith.addi %mul3A_2, %add3A_129 : i32
    %jit3A_131 = arith.constant 13 : i32
    %div3A_132 = arith.divsi %add3A_130, %jit3A_131 : i32
    %sign3A_133 = arith.constant 0 : i32
    %sign3A_134 = arith.cmpi sgt, %add3A_130, %sign3A_133 : i32
    %sign3A_135 = arith.extui %sign3A_134 : i1 to i32
    %sign3A_136 = arith.constant 0 : i32
    %sign3A_137 = arith.cmpi slt, %add3A_130, %sign3A_136 : i32
    %sign3A_138 = arith.extui %sign3A_137 : i1 to i32
    %sign3A_139 = arith.subi %sign3A_135, %sign3A_138 : i32
    %sign3A_140 = arith.constant 0 : i32
    %sign3A_141 = arith.cmpi sgt, %jit3A_131, %sign3A_140 : i32
    %sign3A_142 = arith.extui %sign3A_141 : i1 to i32
    %sign3A_143 = arith.constant 0 : i32
    %sign3A_144 = arith.cmpi slt, %jit3A_131, %sign3A_143 : i32
    %sign3A_145 = arith.extui %sign3A_144 : i1 to i32
    %sign3A_146 = arith.subi %sign3A_142, %sign3A_145 : i32
    %ne3A_147 = arith.cmpi ne, %sign3A_139, %sign3A_146 : i32
    %rem3A_148 = arith.remsi %add3A_130, %jit3A_131 : i32
    %ne3A_149 = arith.constant 0 : i32
    %ne3A_150 = arith.cmpi ne, %rem3A_148, %ne3A_149 : i32
    %and3A_151 = arith.andi %ne3A_147, %ne3A_150 : i1
    %sub3A_152 = arith.constant 1 : i32
    %sub3A_153 = arith.subi %div3A_132, %sub3A_152 : i32
    %select_n3A_154 = arith.select %and3A_151, %sub3A_153, %div3A_132 : i32
    %mul3A_155 = arith.constant 13 : i32
    %mul3A_156 = arith.muli %select_n3A_154, %mul3A_155 : i32
    %sub3A_157 = arith.subi %add3A_130, %mul3A_156 : i32
    %mul3A_158 = arith.constant 2 : i32
    %mul3A_159 = arith.muli %sub3A_157, %mul3A_158 : i32
    %mul3A_160 = arith.constant 128 : i32
    %mul3A_161 = arith.muli %select_n3A_154, %mul3A_160 : i32
    %mul3A_162 = arith.constant 128 : i32
    %mul3A_163 = arith.muli %mul3A_159, %mul3A_162 : i32
    %dma_start3A_164 = arith.constant 1 : i32
    %dma_start3A_165 = arith.constant 0 : i32
    %dma_start3A_166 = arith.constant 0 : i32
    %dma_start3A_167 = tpu.memref_slice %arg6[%dma_start3A_164, %dma_start3A_165, %dma_start3A_166] : memref<3x128x256xf32, #tpu.memory_space<vmem>> -> memref<1x128x256xf32, #tpu.memory_space<vmem>>
    %dma_start3A_168 = tpu.memref_squeeze %dma_start3A_167 : memref<1x128x256xf32, #tpu.memory_space<vmem>> -> memref<128x256xf32, #tpu.memory_space<vmem>>
    %dma_start3A_169 = tpu.memref_slice %arg4[%mul3A_161, %mul3A_163] : memref<16384x3328xf32, #tpu.memory_space<hbm>> -> memref<128x256xf32, #tpu.memory_space<hbm>>
    %dma_start3A_170 = tpu.memref_slice %arg4[%mul3A_161, %mul3A_163] : memref<16384x3328xf32, #tpu.memory_space<hbm>> -> memref<128x256xf32, #tpu.memory_space<hbm>>
    %dma_start3A_171 = arith.constant 0 : i32
    %dma_start3A_172 = arith.constant 0 : i32
    %dma_start3A_173 = tpu.memref_slice %arg6[%dma_start3A_164, %dma_start3A_171, %dma_start3A_172] : memref<3x128x256xf32, #tpu.memory_space<vmem>> -> memref<1x128x256xf32, #tpu.memory_space<vmem>>
    %dma_start3A_174 = tpu.memref_squeeze %dma_start3A_173 : memref<1x128x256xf32, #tpu.memory_space<vmem>> -> memref<128x256xf32, #tpu.memory_space<vmem>>
    tpu.enqueue_dma source(%dma_start3A_174 : memref<128x256xf32, #tpu.memory_space<vmem>>) target(%dma_start3A_170 : memref<128x256xf32, #tpu.memory_space<hbm>>) target_semaphore(%arg11 : memref<!tpu.dma_semaphore, #tpu.memory_space<semaphore_mem>>)
    %dma_start3A_175 = arith.constant 4 : i32
    %dma_start3A_176 = arith.constant 2 : i32
    %dma_start3A_177 = arith.constant 0 : i32
    %dma_start3A_178 = arith.constant 0 : i32
    %dma_start3A_179 = tpu.memref_slice %arg6[%dma_start3A_176, %dma_start3A_177, %dma_start3A_178] : memref<3x128x256xf32, #tpu.memory_space<vmem>> -> memref<1x128x256xf32, #tpu.memory_space<vmem>>
    %dma_start3A_180 = tpu.memref_squeeze %dma_start3A_179 : memref<1x128x256xf32, #tpu.memory_space<vmem>> -> memref<128x256xf32, #tpu.memory_space<vmem>>
    %dma_start3A_181 = arith.constant 0 : i32
    %dma_start3A_182 = arith.constant 0 : i32
    %dma_start3A_183 = tpu.memref_slice %dma_start3A_180[%dma_start3A_181, %dma_start3A_182] : memref<128x256xf32, #tpu.memory_space<vmem>> -> memref<128x128xf32, #tpu.memory_space<vmem>>
    %dma_start3A_184 = arith.constant 0 : i32
    %dma_start3A_185 = tpu.memref_slice %arg5[%dma_start3A_175, %dma_start3A_184] : memref<104x128xi32, #tpu.memory_space<vmem>> -> memref<1x128xi32, #tpu.memory_space<vmem>>
    %dma_start3A_186 = tpu.memref_squeeze %dma_start3A_185 : memref<1x128xi32, #tpu.memory_space<vmem>> -> memref<128xi32, #tpu.memory_space<vmem>>
    %dma_start3A_187 = arith.constant 0 : i32
    %dma_start3A_188 = arith.constant 0 : i32
    %dma_start3A_189 = tpu.memref_slice %arg3[%dma_start3A_187, %dma_start3A_188] : memref<2600000x128xf32, #tpu.memory_space<hbm>> -> memref<2600000x128xf32, #tpu.memory_space<hbm>>
    tpu.enqueue_indirect_dma source(%dma_start3A_189 : memref<2600000x128xf32, #tpu.memory_space<hbm>>) target(%dma_start3A_183 : memref<128x128xf32, #tpu.memory_space<vmem>>) offsets(%dma_start3A_186 : memref<128xi32, #tpu.memory_space<vmem>>) semaphore(%arg9 : memref<!tpu.dma_semaphore, #tpu.memory_space<semaphore_mem>>)
    %dma_start3A_190 = arith.constant 5 : i32
    %dma_start3A_191 = arith.constant 2 : i32
    %dma_start3A_192 = arith.constant 0 : i32
    %dma_start3A_193 = arith.constant 0 : i32
    %dma_start3A_194 = tpu.memref_slice %arg6[%dma_start3A_191, %dma_start3A_192, %dma_start3A_193] : memref<3x128x256xf32, #tpu.memory_space<vmem>> -> memref<1x128x256xf32, #tpu.memory_space<vmem>>
    %dma_start3A_195 = tpu.memref_squeeze %dma_start3A_194 : memref<1x128x256xf32, #tpu.memory_space<vmem>> -> memref<128x256xf32, #tpu.memory_space<vmem>>
    %dma_start3A_196 = arith.constant 0 : i32
    %dma_start3A_197 = arith.constant 128 : i32
    %dma_start3A_198 = tpu.memref_slice %dma_start3A_195[%dma_start3A_196, %dma_start3A_197] : memref<128x256xf32, #tpu.memory_space<vmem>> -> memref<128x128xf32, #tpu.memory_space<vmem>>
    %dma_start3A_199 = arith.constant 0 : i32
    %dma_start3A_200 = tpu.memref_slice %arg5[%dma_start3A_190, %dma_start3A_199] : memref<104x128xi32, #tpu.memory_space<vmem>> -> memref<1x128xi32, #tpu.memory_space<vmem>>
    %dma_start3A_201 = tpu.memref_squeeze %dma_start3A_200 : memref<1x128xi32, #tpu.memory_space<vmem>> -> memref<128xi32, #tpu.memory_space<vmem>>
    %dma_start3A_202 = arith.constant 0 : i32
    %dma_start3A_203 = arith.constant 0 : i32
    %dma_start3A_204 = tpu.memref_slice %arg3[%dma_start3A_202, %dma_start3A_203] : memref<2600000x128xf32, #tpu.memory_space<hbm>> -> memref<2600000x128xf32, #tpu.memory_space<hbm>>
    tpu.enqueue_indirect_dma source(%dma_start3A_204 : memref<2600000x128xf32, #tpu.memory_space<hbm>>) target(%dma_start3A_198 : memref<128x128xf32, #tpu.memory_space<vmem>>) offsets(%dma_start3A_201 : memref<128xi32, #tpu.memory_space<vmem>>) semaphore(%arg9 : memref<!tpu.dma_semaphore, #tpu.memory_space<semaphore_mem>>)
    %scan3A = arith.constant 2 : i32
    %scan3A_205 = arith.constant 0 : i32
    %scan3A_206 = arith.constant 1 : i32
    %scan3A_207 = arith.constant 0 : i32
    %scan3A_208 = arith.constant 16 : i32
    %scan3A_209 = arith.addi %scan3A_207, %scan3A_208 : i32
    %scan3A_210 = arith.constant 1 : i32
    scf.for %scan3A_548 = %scan3A_207 to %scan3A_209 step %scan3A_210  : i32 {
      %mul3A_549 = arith.constant 1 : i32
      %mul3A_550 = arith.muli %scan3A_548, %mul3A_549 : i32
      %add3A_551 = arith.constant 0 : i32
      %add3A_552 = arith.addi %add3A_551, %mul3A_550 : i32
      %mul3A_553 = arith.constant 3 : i32
      %mul3A_554 = arith.muli %mul3A_553, %add3A_552 : i32
      %add3A_555 = arith.constant 2 : i32
      %add3A_556 = arith.addi %mul3A_554, %add3A_555 : i32
      %add3A_557 = arith.constant 0 : i32
      %add3A_558 = arith.addi %add3A_556, %add3A_557 : i32
      %dma_wait3A_559 = arith.constant 0 : i32
      %dma_wait3A_560 = arith.constant 0 : i32
      %dma_wait3A_561 = tpu.memref_slice %arg6[%scan3A, %dma_wait3A_559, %dma_wait3A_560] : memref<3x128x256xf32, #tpu.memory_space<vmem>> -> memref<1x128x256xf32, #tpu.memory_space<vmem>>
      %dma_wait3A_562 = tpu.memref_squeeze %dma_wait3A_561 : memref<1x128x256xf32, #tpu.memory_space<vmem>> -> memref<128x256xf32, #tpu.memory_space<vmem>>
      %dma_wait3A_563 = arith.constant 0 : i32
      %dma_wait3A_564 = arith.constant 0 : i32
      %dma_wait3A_565 = tpu.memref_slice %arg4[%dma_wait3A_563, %dma_wait3A_564] : memref<16384x3328xf32, #tpu.memory_space<hbm>> -> memref<128x256xf32, #tpu.memory_space<hbm>>
      %dma_wait3A_566 = arith.constant 0 : i32
      %dma_wait3A_567 = arith.constant 0 : i32
      %dma_wait3A_568 = tpu.memref_slice %arg6[%scan3A, %dma_wait3A_566, %dma_wait3A_567] : memref<3x128x256xf32, #tpu.memory_space<vmem>> -> memref<1x128x256xf32, #tpu.memory_space<vmem>>
      %dma_wait3A_569 = tpu.memref_squeeze %dma_wait3A_568 : memref<1x128x256xf32, #tpu.memory_space<vmem>> -> memref<128x256xf32, #tpu.memory_space<vmem>>
      %dma_wait3A_570 = arith.constant 0 : i32
      %dma_wait3A_571 = arith.constant 0 : i32
      %dma_wait3A_572 = tpu.memref_slice %arg4[%dma_wait3A_570, %dma_wait3A_571] : memref<16384x3328xf32, #tpu.memory_space<hbm>> -> memref<128x256xf32, #tpu.memory_space<hbm>>
      tpu.wait_dma2 semaphore(%arg9 : memref<!tpu.dma_semaphore, #tpu.memory_space<semaphore_mem>>) src(%dma_wait3A_572 : memref<128x256xf32, #tpu.memory_space<hbm>>) dst(%dma_wait3A_569 : memref<128x256xf32, #tpu.memory_space<vmem>>)
      %add3A_573 = arith.addi %mul3A_2, %add3A_558 : i32
      %jit3A_574 = arith.constant 13 : i32
      %div3A_575 = arith.divsi %add3A_573, %jit3A_574 : i32
      %sign3A_576 = arith.constant 0 : i32
      %sign3A_577 = arith.cmpi sgt, %add3A_573, %sign3A_576 : i32
      %sign3A_578 = arith.extui %sign3A_577 : i1 to i32
      %sign3A_579 = arith.constant 0 : i32
      %sign3A_580 = arith.cmpi slt, %add3A_573, %sign3A_579 : i32
      %sign3A_581 = arith.extui %sign3A_580 : i1 to i32
      %sign3A_582 = arith.subi %sign3A_578, %sign3A_581 : i32
      %sign3A_583 = arith.constant 0 : i32
      %sign3A_584 = arith.cmpi sgt, %jit3A_574, %sign3A_583 : i32
      %sign3A_585 = arith.extui %sign3A_584 : i1 to i32
      %sign3A_586 = arith.constant 0 : i32
      %sign3A_587 = arith.cmpi slt, %jit3A_574, %sign3A_586 : i32
      %sign3A_588 = arith.extui %sign3A_587 : i1 to i32
      %sign3A_589 = arith.subi %sign3A_585, %sign3A_588 : i32
      %ne3A_590 = arith.cmpi ne, %sign3A_582, %sign3A_589 : i32
      %rem3A_591 = arith.remsi %add3A_573, %jit3A_574 : i32
      %ne3A_592 = arith.constant 0 : i32
      %ne3A_593 = arith.cmpi ne, %rem3A_591, %ne3A_592 : i32
      %and3A_594 = arith.andi %ne3A_590, %ne3A_593 : i1
      %sub3A_595 = arith.constant 1 : i32
      %sub3A_596 = arith.subi %div3A_575, %sub3A_595 : i32
      %select_n3A_597 = arith.select %and3A_594, %sub3A_596, %div3A_575 : i32
      %mul3A_598 = arith.constant 13 : i32
      %mul3A_599 = arith.muli %select_n3A_597, %mul3A_598 : i32
      %sub3A_600 = arith.subi %add3A_573, %mul3A_599 : i32
      %mul3A_601 = arith.constant 2 : i32
      %mul3A_602 = arith.muli %sub3A_600, %mul3A_601 : i32
      %mul3A_603 = arith.constant 128 : i32
      %mul3A_604 = arith.muli %select_n3A_597, %mul3A_603 : i32
      %mul3A_605 = arith.constant 128 : i32
      %mul3A_606 = arith.muli %mul3A_602, %mul3A_605 : i32
      %dma_start3A_607 = arith.constant 0 : i32
      %dma_start3A_608 = arith.constant 0 : i32
      %dma_start3A_609 = tpu.memref_slice %arg6[%scan3A, %dma_start3A_607, %dma_start3A_608] : memref<3x128x256xf32, #tpu.memory_space<vmem>> -> memref<1x128x256xf32, #tpu.memory_space<vmem>>
      %dma_start3A_610 = tpu.memref_squeeze %dma_start3A_609 : memref<1x128x256xf32, #tpu.memory_space<vmem>> -> memref<128x256xf32, #tpu.memory_space<vmem>>
      %dma_start3A_611 = tpu.memref_slice %arg4[%mul3A_604, %mul3A_606] : memref<16384x3328xf32, #tpu.memory_space<hbm>> -> memref<128x256xf32, #tpu.memory_space<hbm>>
      %dma_start3A_612 = tpu.memref_slice %arg4[%mul3A_604, %mul3A_606] : memref<16384x3328xf32, #tpu.memory_space<hbm>> -> memref<128x256xf32, #tpu.memory_space<hbm>>
      %dma_start3A_613 = arith.constant 0 : i32
      %dma_start3A_614 = arith.constant 0 : i32
      %dma_start3A_615 = tpu.memref_slice %arg6[%scan3A, %dma_start3A_613, %dma_start3A_614] : memref<3x128x256xf32, #tpu.memory_space<vmem>> -> memref<1x128x256xf32, #tpu.memory_space<vmem>>
      %dma_start3A_616 = tpu.memref_squeeze %dma_start3A_615 : memref<1x128x256xf32, #tpu.memory_space<vmem>> -> memref<128x256xf32, #tpu.memory_space<vmem>>
      tpu.enqueue_dma source(%dma_start3A_616 : memref<128x256xf32, #tpu.memory_space<vmem>>) target(%dma_start3A_612 : memref<128x256xf32, #tpu.memory_space<hbm>>) target_semaphore(%arg12 : memref<!tpu.dma_semaphore, #tpu.memory_space<semaphore_mem>>)
      %sub3A_617 = arith.constant 2 : i32
      %sub3A_618 = arith.subi %add3A_558, %sub3A_617 : i32
      %add3A_619 = arith.addi %mul3A_2, %sub3A_618 : i32
      %jit3A_620 = arith.constant 13 : i32
      %div3A_621 = arith.divsi %add3A_619, %jit3A_620 : i32
      %sign3A_622 = arith.constant 0 : i32
      %sign3A_623 = arith.cmpi sgt, %add3A_619, %sign3A_622 : i32
      %sign3A_624 = arith.extui %sign3A_623 : i1 to i32
      %sign3A_625 = arith.constant 0 : i32
      %sign3A_626 = arith.cmpi slt, %add3A_619, %sign3A_625 : i32
      %sign3A_627 = arith.extui %sign3A_626 : i1 to i32
      %sign3A_628 = arith.subi %sign3A_624, %sign3A_627 : i32
      %sign3A_629 = arith.constant 0 : i32
      %sign3A_630 = arith.cmpi sgt, %jit3A_620, %sign3A_629 : i32
      %sign3A_631 = arith.extui %sign3A_630 : i1 to i32
      %sign3A_632 = arith.constant 0 : i32
      %sign3A_633 = arith.cmpi slt, %jit3A_620, %sign3A_632 : i32
      %sign3A_634 = arith.extui %sign3A_633 : i1 to i32
      %sign3A_635 = arith.subi %sign3A_631, %sign3A_634 : i32
      %ne3A_636 = arith.cmpi ne, %sign3A_628, %sign3A_635 : i32
      %rem3A_637 = arith.remsi %add3A_619, %jit3A_620 : i32
      %ne3A_638 = arith.constant 0 : i32
      %ne3A_639 = arith.cmpi ne, %rem3A_637, %ne3A_638 : i32
      %and3A_640 = arith.andi %ne3A_636, %ne3A_639 : i1
      %sub3A_641 = arith.constant 1 : i32
      %sub3A_642 = arith.subi %div3A_621, %sub3A_641 : i32
      %select_n3A_643 = arith.select %and3A_640, %sub3A_642, %div3A_621 : i32
      %mul3A_644 = arith.constant 13 : i32
      %mul3A_645 = arith.muli %select_n3A_643, %mul3A_644 : i32
      %sub3A_646 = arith.subi %add3A_619, %mul3A_645 : i32
      %mul3A_647 = arith.constant 2 : i32
      %mul3A_648 = arith.muli %sub3A_646, %mul3A_647 : i32
      %mul3A_649 = arith.constant 128 : i32
      %mul3A_650 = arith.muli %select_n3A_643, %mul3A_649 : i32
      %mul3A_651 = arith.constant 128 : i32
      %mul3A_652 = arith.muli %mul3A_648, %mul3A_651 : i32
      %dma_wait3A_653 = arith.constant 0 : i32
      %dma_wait3A_654 = arith.constant 0 : i32
      %dma_wait3A_655 = tpu.memref_slice %arg6[%scan3A_205, %dma_wait3A_653, %dma_wait3A_654] : memref<3x128x256xf32, #tpu.memory_space<vmem>> -> memref<1x128x256xf32, #tpu.memory_space<vmem>>
      %dma_wait3A_656 = tpu.memref_squeeze %dma_wait3A_655 : memref<1x128x256xf32, #tpu.memory_space<vmem>> -> memref<128x256xf32, #tpu.memory_space<vmem>>
      %dma_wait3A_657 = tpu.memref_slice %arg4[%mul3A_650, %mul3A_652] : memref<16384x3328xf32, #tpu.memory_space<hbm>> -> memref<128x256xf32, #tpu.memory_space<hbm>>
      %dma_wait3A_658 = tpu.memref_slice %arg4[%mul3A_650, %mul3A_652] : memref<16384x3328xf32, #tpu.memory_space<hbm>> -> memref<128x256xf32, #tpu.memory_space<hbm>>
      %dma_wait3A_659 = arith.constant 0 : i32
      %dma_wait3A_660 = arith.constant 0 : i32
      %dma_wait3A_661 = tpu.memref_slice %arg6[%scan3A_205, %dma_wait3A_659, %dma_wait3A_660] : memref<3x128x256xf32, #tpu.memory_space<vmem>> -> memref<1x128x256xf32, #tpu.memory_space<vmem>>
      %dma_wait3A_662 = tpu.memref_squeeze %dma_wait3A_661 : memref<1x128x256xf32, #tpu.memory_space<vmem>> -> memref<128x256xf32, #tpu.memory_space<vmem>>
      tpu.wait_dma2 semaphore(%arg10 : memref<!tpu.dma_semaphore, #tpu.memory_space<semaphore_mem>>) src(%dma_wait3A_662 : memref<128x256xf32, #tpu.memory_space<vmem>>) dst(%dma_wait3A_658 : memref<128x256xf32, #tpu.memory_space<hbm>>)
      %add3A_663 = arith.constant 1 : i32
      %add3A_664 = arith.addi %add3A_558, %add3A_663 : i32
      %mul3A_665 = arith.constant 2 : i32
      %mul3A_666 = arith.muli %add3A_664, %mul3A_665 : i32
      %add3A_667 = arith.constant 0 : i32
      %add3A_668 = arith.addi %mul3A_666, %add3A_667 : i32
      %dma_start3A_669 = arith.constant 0 : i32
      %dma_start3A_670 = arith.constant 0 : i32
      %dma_start3A_671 = tpu.memref_slice %arg6[%scan3A_205, %dma_start3A_669, %dma_start3A_670] : memref<3x128x256xf32, #tpu.memory_space<vmem>> -> memref<1x128x256xf32, #tpu.memory_space<vmem>>
      %dma_start3A_672 = tpu.memref_squeeze %dma_start3A_671 : memref<1x128x256xf32, #tpu.memory_space<vmem>> -> memref<128x256xf32, #tpu.memory_space<vmem>>
      %dma_start3A_673 = arith.constant 0 : i32
      %dma_start3A_674 = arith.constant 0 : i32
      %dma_start3A_675 = tpu.memref_slice %dma_start3A_672[%dma_start3A_673, %dma_start3A_674] : memref<128x256xf32, #tpu.memory_space<vmem>> -> memref<128x128xf32, #tpu.memory_space<vmem>>
      %dma_start3A_676 = arith.constant 0 : i32
      %dma_start3A_677 = tpu.memref_slice %arg5[%add3A_668, %dma_start3A_676] : memref<104x128xi32, #tpu.memory_space<vmem>> -> memref<1x128xi32, #tpu.memory_space<vmem>>
      %dma_start3A_678 = tpu.memref_squeeze %dma_start3A_677 : memref<1x128xi32, #tpu.memory_space<vmem>> -> memref<128xi32, #tpu.memory_space<vmem>>
      %dma_start3A_679 = arith.constant 0 : i32
      %dma_start3A_680 = arith.constant 0 : i32
      %dma_start3A_681 = tpu.memref_slice %arg3[%dma_start3A_679, %dma_start3A_680] : memref<2600000x128xf32, #tpu.memory_space<hbm>> -> memref<2600000x128xf32, #tpu.memory_space<hbm>>
      tpu.enqueue_indirect_dma source(%dma_start3A_681 : memref<2600000x128xf32, #tpu.memory_space<hbm>>) target(%dma_start3A_675 : memref<128x128xf32, #tpu.memory_space<vmem>>) offsets(%dma_start3A_678 : memref<128xi32, #tpu.memory_space<vmem>>) semaphore(%arg7 : memref<!tpu.dma_semaphore, #tpu.memory_space<semaphore_mem>>)
      %mul3A_682 = arith.constant 2 : i32
      %mul3A_683 = arith.muli %add3A_664, %mul3A_682 : i32
      %add3A_684 = arith.constant 1 : i32
      %add3A_685 = arith.addi %mul3A_683, %add3A_684 : i32
      %dma_start3A_686 = arith.constant 0 : i32
      %dma_start3A_687 = arith.constant 0 : i32
      %dma_start3A_688 = tpu.memref_slice %arg6[%scan3A_205, %dma_start3A_686, %dma_start3A_687] : memref<3x128x256xf32, #tpu.memory_space<vmem>> -> memref<1x128x256xf32, #tpu.memory_space<vmem>>
      %dma_start3A_689 = tpu.memref_squeeze %dma_start3A_688 : memref<1x128x256xf32, #tpu.memory_space<vmem>> -> memref<128x256xf32, #tpu.memory_space<vmem>>
      %dma_start3A_690 = arith.constant 0 : i32
      %dma_start3A_691 = arith.constant 128 : i32
      %dma_start3A_692 = tpu.memref_slice %dma_start3A_689[%dma_start3A_690, %dma_start3A_691] : memref<128x256xf32, #tpu.memory_space<vmem>> -> memref<128x128xf32, #tpu.memory_space<vmem>>
      %dma_start3A_693 = arith.constant 0 : i32
      %dma_start3A_694 = tpu.memref_slice %arg5[%add3A_685, %dma_start3A_693] : memref<104x128xi32, #tpu.memory_space<vmem>> -> memref<1x128xi32, #tpu.memory_space<vmem>>
      %dma_start3A_695 = tpu.memref_squeeze %dma_start3A_694 : memref<1x128xi32, #tpu.memory_space<vmem>> -> memref<128xi32, #tpu.memory_space<vmem>>
      %dma_start3A_696 = arith.constant 0 : i32
      %dma_start3A_697 = arith.constant 0 : i32
      %dma_start3A_698 = tpu.memref_slice %arg3[%dma_start3A_696, %dma_start3A_697] : memref<2600000x128xf32, #tpu.memory_space<hbm>> -> memref<2600000x128xf32, #tpu.memory_space<hbm>>
      tpu.enqueue_indirect_dma source(%dma_start3A_698 : memref<2600000x128xf32, #tpu.memory_space<hbm>>) target(%dma_start3A_692 : memref<128x128xf32, #tpu.memory_space<vmem>>) offsets(%dma_start3A_695 : memref<128xi32, #tpu.memory_space<vmem>>) semaphore(%arg7 : memref<!tpu.dma_semaphore, #tpu.memory_space<semaphore_mem>>)
      %mul3A_699 = arith.constant 3 : i32
      %mul3A_700 = arith.muli %mul3A_699, %add3A_552 : i32
      %add3A_701 = arith.constant 2 : i32
      %add3A_702 = arith.addi %mul3A_700, %add3A_701 : i32
      %add3A_703 = arith.constant 1 : i32
      %add3A_704 = arith.addi %add3A_702, %add3A_703 : i32
      %dma_wait3A_705 = arith.constant 0 : i32
      %dma_wait3A_706 = arith.constant 0 : i32
      %dma_wait3A_707 = tpu.memref_slice %arg6[%scan3A_205, %dma_wait3A_705, %dma_wait3A_706] : memref<3x128x256xf32, #tpu.memory_space<vmem>> -> memref<1x128x256xf32, #tpu.memory_space<vmem>>
      %dma_wait3A_708 = tpu.memref_squeeze %dma_wait3A_707 : memref<1x128x256xf32, #tpu.memory_space<vmem>> -> memref<128x256xf32, #tpu.memory_space<vmem>>
      %dma_wait3A_709 = arith.constant 0 : i32
      %dma_wait3A_710 = arith.constant 0 : i32
      %dma_wait3A_711 = tpu.memref_slice %arg4[%dma_wait3A_709, %dma_wait3A_710] : memref<16384x3328xf32, #tpu.memory_space<hbm>> -> memref<128x256xf32, #tpu.memory_space<hbm>>
      %dma_wait3A_712 = arith.constant 0 : i32
      %dma_wait3A_713 = arith.constant 0 : i32
      %dma_wait3A_714 = tpu.memref_slice %arg6[%scan3A_205, %dma_wait3A_712, %dma_wait3A_713] : memref<3x128x256xf32, #tpu.memory_space<vmem>> -> memref<1x128x256xf32, #tpu.memory_space<vmem>>
      %dma_wait3A_715 = tpu.memref_squeeze %dma_wait3A_714 : memref<1x128x256xf32, #tpu.memory_space<vmem>> -> memref<128x256xf32, #tpu.memory_space<vmem>>
      %dma_wait3A_716 = arith.constant 0 : i32
      %dma_wait3A_717 = arith.constant 0 : i32
      %dma_wait3A_718 = tpu.memref_slice %arg4[%dma_wait3A_716, %dma_wait3A_717] : memref<16384x3328xf32, #tpu.memory_space<hbm>> -> memref<128x256xf32, #tpu.memory_space<hbm>>
      tpu.wait_dma2 semaphore(%arg7 : memref<!tpu.dma_semaphore, #tpu.memory_space<semaphore_mem>>) src(%dma_wait3A_718 : memref<128x256xf32, #tpu.memory_space<hbm>>) dst(%dma_wait3A_715 : memref<128x256xf32, #tpu.memory_space<vmem>>)
      %add3A_719 = arith.addi %mul3A_2, %add3A_704 : i32
      %jit3A_720 = arith.constant 13 : i32
      %div3A_721 = arith.divsi %add3A_719, %jit3A_720 : i32
      %sign3A_722 = arith.constant 0 : i32
      %sign3A_723 = arith.cmpi sgt, %add3A_719, %sign3A_722 : i32
      %sign3A_724 = arith.extui %sign3A_723 : i1 to i32
      %sign3A_725 = arith.constant 0 : i32
      %sign3A_726 = arith.cmpi slt, %add3A_719, %sign3A_725 : i32
      %sign3A_727 = arith.extui %sign3A_726 : i1 to i32
      %sign3A_728 = arith.subi %sign3A_724, %sign3A_727 : i32
      %sign3A_729 = arith.constant 0 : i32
      %sign3A_730 = arith.cmpi sgt, %jit3A_720, %sign3A_729 : i32
      %sign3A_731 = arith.extui %sign3A_730 : i1 to i32
      %sign3A_732 = arith.constant 0 : i32
      %sign3A_733 = arith.cmpi slt, %jit3A_720, %sign3A_732 : i32
      %sign3A_734 = arith.extui %sign3A_733 : i1 to i32
      %sign3A_735 = arith.subi %sign3A_731, %sign3A_734 : i32
      %ne3A_736 = arith.cmpi ne, %sign3A_728, %sign3A_735 : i32
      %rem3A_737 = arith.remsi %add3A_719, %jit3A_720 : i32
      %ne3A_738 = arith.constant 0 : i32
      %ne3A_739 = arith.cmpi ne, %rem3A_737, %ne3A_738 : i32
      %and3A_740 = arith.andi %ne3A_736, %ne3A_739 : i1
      %sub3A_741 = arith.constant 1 : i32
      %sub3A_742 = arith.subi %div3A_721, %sub3A_741 : i32
      %select_n3A_743 = arith.select %and3A_740, %sub3A_742, %div3A_721 : i32
      %mul3A_744 = arith.constant 13 : i32
      %mul3A_745 = arith.muli %select_n3A_743, %mul3A_744 : i32
      %sub3A_746 = arith.subi %add3A_719, %mul3A_745 : i32
      %mul3A_747 = arith.constant 2 : i32
      %mul3A_748 = arith.muli %sub3A_746, %mul3A_747 : i32
      %mul3A_749 = arith.constant 128 : i32
      %mul3A_750 = arith.muli %select_n3A_743, %mul3A_749 : i32
      %mul3A_751 = arith.constant 128 : i32
      %mul3A_752 = arith.muli %mul3A_748, %mul3A_751 : i32
      %dma_start3A_753 = arith.constant 0 : i32
      %dma_start3A_754 = arith.constant 0 : i32
      %dma_start3A_755 = tpu.memref_slice %arg6[%scan3A_205, %dma_start3A_753, %dma_start3A_754] : memref<3x128x256xf32, #tpu.memory_space<vmem>> -> memref<1x128x256xf32, #tpu.memory_space<vmem>>
      %dma_start3A_756 = tpu.memref_squeeze %dma_start3A_755 : memref<1x128x256xf32, #tpu.memory_space<vmem>> -> memref<128x256xf32, #tpu.memory_space<vmem>>
      %dma_start3A_757 = tpu.memref_slice %arg4[%mul3A_750, %mul3A_752] : memref<16384x3328xf32, #tpu.memory_space<hbm>> -> memref<128x256xf32, #tpu.memory_space<hbm>>
      %dma_start3A_758 = tpu.memref_slice %arg4[%mul3A_750, %mul3A_752] : memref<16384x3328xf32, #tpu.memory_space<hbm>> -> memref<128x256xf32, #tpu.memory_space<hbm>>
      %dma_start3A_759 = arith.constant 0 : i32
      %dma_start3A_760 = arith.constant 0 : i32
      %dma_start3A_761 = tpu.memref_slice %arg6[%scan3A_205, %dma_start3A_759, %dma_start3A_760] : memref<3x128x256xf32, #tpu.memory_space<vmem>> -> memref<1x128x256xf32, #tpu.memory_space<vmem>>
      %dma_start3A_762 = tpu.memref_squeeze %dma_start3A_761 : memref<1x128x256xf32, #tpu.memory_space<vmem>> -> memref<128x256xf32, #tpu.memory_space<vmem>>
      tpu.enqueue_dma source(%dma_start3A_762 : memref<128x256xf32, #tpu.memory_space<vmem>>) target(%dma_start3A_758 : memref<128x256xf32, #tpu.memory_space<hbm>>) target_semaphore(%arg10 : memref<!tpu.dma_semaphore, #tpu.memory_space<semaphore_mem>>)
      %sub3A_763 = arith.constant 2 : i32
      %sub3A_764 = arith.subi %add3A_704, %sub3A_763 : i32
      %add3A_765 = arith.addi %mul3A_2, %sub3A_764 : i32
      %jit3A_766 = arith.constant 13 : i32
      %div3A_767 = arith.divsi %add3A_765, %jit3A_766 : i32
      %sign3A_768 = arith.constant 0 : i32
      %sign3A_769 = arith.cmpi sgt, %add3A_765, %sign3A_768 : i32
      %sign3A_770 = arith.extui %sign3A_769 : i1 to i32
      %sign3A_771 = arith.constant 0 : i32
      %sign3A_772 = arith.cmpi slt, %add3A_765, %sign3A_771 : i32
      %sign3A_773 = arith.extui %sign3A_772 : i1 to i32
      %sign3A_774 = arith.subi %sign3A_770, %sign3A_773 : i32
      %sign3A_775 = arith.constant 0 : i32
      %sign3A_776 = arith.cmpi sgt, %jit3A_766, %sign3A_775 : i32
      %sign3A_777 = arith.extui %sign3A_776 : i1 to i32
      %sign3A_778 = arith.constant 0 : i32
      %sign3A_779 = arith.cmpi slt, %jit3A_766, %sign3A_778 : i32
      %sign3A_780 = arith.extui %sign3A_779 : i1 to i32
      %sign3A_781 = arith.subi %sign3A_777, %sign3A_780 : i32
      %ne3A_782 = arith.cmpi ne, %sign3A_774, %sign3A_781 : i32
      %rem3A_783 = arith.remsi %add3A_765, %jit3A_766 : i32
      %ne3A_784 = arith.constant 0 : i32
      %ne3A_785 = arith.cmpi ne, %rem3A_783, %ne3A_784 : i32
      %and3A_786 = arith.andi %ne3A_782, %ne3A_785 : i1
      %sub3A_787 = arith.constant 1 : i32
      %sub3A_788 = arith.subi %div3A_767, %sub3A_787 : i32
      %select_n3A_789 = arith.select %and3A_786, %sub3A_788, %div3A_767 : i32
      %mul3A_790 = arith.constant 13 : i32
      %mul3A_791 = arith.muli %select_n3A_789, %mul3A_790 : i32
      %sub3A_792 = arith.subi %add3A_765, %mul3A_791 : i32
      %mul3A_793 = arith.constant 2 : i32
      %mul3A_794 = arith.muli %sub3A_792, %mul3A_793 : i32
      %mul3A_795 = arith.constant 128 : i32
      %mul3A_796 = arith.muli %select_n3A_789, %mul3A_795 : i32
      %mul3A_797 = arith.constant 128 : i32
      %mul3A_798 = arith.muli %mul3A_794, %mul3A_797 : i32
      %dma_wait3A_799 = arith.constant 0 : i32
      %dma_wait3A_800 = arith.constant 0 : i32
      %dma_wait3A_801 = tpu.memref_slice %arg6[%scan3A_206, %dma_wait3A_799, %dma_wait3A_800] : memref<3x128x256xf32, #tpu.memory_space<vmem>> -> memref<1x128x256xf32, #tpu.memory_space<vmem>>
      %dma_wait3A_802 = tpu.memref_squeeze %dma_wait3A_801 : memref<1x128x256xf32, #tpu.memory_space<vmem>> -> memref<128x256xf32, #tpu.memory_space<vmem>>
      %dma_wait3A_803 = tpu.memref_slice %arg4[%mul3A_796, %mul3A_798] : memref<16384x3328xf32, #tpu.memory_space<hbm>> -> memref<128x256xf32, #tpu.memory_space<hbm>>
      %dma_wait3A_804 = tpu.memref_slice %arg4[%mul3A_796, %mul3A_798] : memref<16384x3328xf32, #tpu.memory_space<hbm>> -> memref<128x256xf32, #tpu.memory_space<hbm>>
      %dma_wait3A_805 = arith.constant 0 : i32
      %dma_wait3A_806 = arith.constant 0 : i32
      %dma_wait3A_807 = tpu.memref_slice %arg6[%scan3A_206, %dma_wait3A_805, %dma_wait3A_806] : memref<3x128x256xf32, #tpu.memory_space<vmem>> -> memref<1x128x256xf32, #tpu.memory_space<vmem>>
      %dma_wait3A_808 = tpu.memref_squeeze %dma_wait3A_807 : memref<1x128x256xf32, #tpu.memory_space<vmem>> -> memref<128x256xf32, #tpu.memory_space<vmem>>
      tpu.wait_dma2 semaphore(%arg11 : memref<!tpu.dma_semaphore, #tpu.memory_space<semaphore_mem>>) src(%dma_wait3A_808 : memref<128x256xf32, #tpu.memory_space<vmem>>) dst(%dma_wait3A_804 : memref<128x256xf32, #tpu.memory_space<hbm>>)
      %add3A_809 = arith.constant 1 : i32
      %add3A_810 = arith.addi %add3A_704, %add3A_809 : i32
      %mul3A_811 = arith.constant 2 : i32
      %mul3A_812 = arith.muli %add3A_810, %mul3A_811 : i32
      %add3A_813 = arith.constant 0 : i32
      %add3A_814 = arith.addi %mul3A_812, %add3A_813 : i32
      %dma_start3A_815 = arith.constant 0 : i32
      %dma_start3A_816 = arith.constant 0 : i32
      %dma_start3A_817 = tpu.memref_slice %arg6[%scan3A_206, %dma_start3A_815, %dma_start3A_816] : memref<3x128x256xf32, #tpu.memory_space<vmem>> -> memref<1x128x256xf32, #tpu.memory_space<vmem>>
      %dma_start3A_818 = tpu.memref_squeeze %dma_start3A_817 : memref<1x128x256xf32, #tpu.memory_space<vmem>> -> memref<128x256xf32, #tpu.memory_space<vmem>>
      %dma_start3A_819 = arith.constant 0 : i32
      %dma_start3A_820 = arith.constant 0 : i32
      %dma_start3A_821 = tpu.memref_slice %dma_start3A_818[%dma_start3A_819, %dma_start3A_820] : memref<128x256xf32, #tpu.memory_space<vmem>> -> memref<128x128xf32, #tpu.memory_space<vmem>>
      %dma_start3A_822 = arith.constant 0 : i32
      %dma_start3A_823 = tpu.memref_slice %arg5[%add3A_814, %dma_start3A_822] : memref<104x128xi32, #tpu.memory_space<vmem>> -> memref<1x128xi32, #tpu.memory_space<vmem>>
      %dma_start3A_824 = tpu.memref_squeeze %dma_start3A_823 : memref<1x128xi32, #tpu.memory_space<vmem>> -> memref<128xi32, #tpu.memory_space<vmem>>
      %dma_start3A_825 = arith.constant 0 : i32
      %dma_start3A_826 = arith.constant 0 : i32
      %dma_start3A_827 = tpu.memref_slice %arg3[%dma_start3A_825, %dma_start3A_826] : memref<2600000x128xf32, #tpu.memory_space<hbm>> -> memref<2600000x128xf32, #tpu.memory_space<hbm>>
      tpu.enqueue_indirect_dma source(%dma_start3A_827 : memref<2600000x128xf32, #tpu.memory_space<hbm>>) target(%dma_start3A_821 : memref<128x128xf32, #tpu.memory_space<vmem>>) offsets(%dma_start3A_824 : memref<128xi32, #tpu.memory_space<vmem>>) semaphore(%arg8 : memref<!tpu.dma_semaphore, #tpu.memory_space<semaphore_mem>>)
      %mul3A_828 = arith.constant 2 : i32
      %mul3A_829 = arith.muli %add3A_810, %mul3A_828 : i32
      %add3A_830 = arith.constant 1 : i32
      %add3A_831 = arith.addi %mul3A_829, %add3A_830 : i32
      %dma_start3A_832 = arith.constant 0 : i32
      %dma_start3A_833 = arith.constant 0 : i32
      %dma_start3A_834 = tpu.memref_slice %arg6[%scan3A_206, %dma_start3A_832, %dma_start3A_833] : memref<3x128x256xf32, #tpu.memory_space<vmem>> -> memref<1x128x256xf32, #tpu.memory_space<vmem>>
      %dma_start3A_835 = tpu.memref_squeeze %dma_start3A_834 : memref<1x128x256xf32, #tpu.memory_space<vmem>> -> memref<128x256xf32, #tpu.memory_space<vmem>>
      %dma_start3A_836 = arith.constant 0 : i32
      %dma_start3A_837 = arith.constant 128 : i32
      %dma_start3A_838 = tpu.memref_slice %dma_start3A_835[%dma_start3A_836, %dma_start3A_837] : memref<128x256xf32, #tpu.memory_space<vmem>> -> memref<128x128xf32, #tpu.memory_space<vmem>>
      %dma_start3A_839 = arith.constant 0 : i32
      %dma_start3A_840 = tpu.memref_slice %arg5[%add3A_831, %dma_start3A_839] : memref<104x128xi32, #tpu.memory_space<vmem>> -> memref<1x128xi32, #tpu.memory_space<vmem>>
      %dma_start3A_841 = tpu.memref_squeeze %dma_start3A_840 : memref<1x128xi32, #tpu.memory_space<vmem>> -> memref<128xi32, #tpu.memory_space<vmem>>
      %dma_start3A_842 = arith.constant 0 : i32
      %dma_start3A_843 = arith.constant 0 : i32
      %dma_start3A_844 = tpu.memref_slice %arg3[%dma_start3A_842, %dma_start3A_843] : memref<2600000x128xf32, #tpu.memory_space<hbm>> -> memref<2600000x128xf32, #tpu.memory_space<hbm>>
      tpu.enqueue_indirect_dma source(%dma_start3A_844 : memref<2600000x128xf32, #tpu.memory_space<hbm>>) target(%dma_start3A_838 : memref<128x128xf32, #tpu.memory_space<vmem>>) offsets(%dma_start3A_841 : memref<128xi32, #tpu.memory_space<vmem>>) semaphore(%arg8 : memref<!tpu.dma_semaphore, #tpu.memory_space<semaphore_mem>>)
      %mul3A_845 = arith.constant 3 : i32
      %mul3A_846 = arith.muli %mul3A_845, %add3A_552 : i32
      %add3A_847 = arith.constant 2 : i32
      %add3A_848 = arith.addi %mul3A_846, %add3A_847 : i32
      %add3A_849 = arith.constant 2 : i32
      %add3A_850 = arith.addi %add3A_848, %add3A_849 : i32
      %dma_wait3A_851 = arith.constant 0 : i32
      %dma_wait3A_852 = arith.constant 0 : i32
      %dma_wait3A_853 = tpu.memref_slice %arg6[%scan3A_206, %dma_wait3A_851, %dma_wait3A_852] : memref<3x128x256xf32, #tpu.memory_space<vmem>> -> memref<1x128x256xf32, #tpu.memory_space<vmem>>
      %dma_wait3A_854 = tpu.memref_squeeze %dma_wait3A_853 : memref<1x128x256xf32, #tpu.memory_space<vmem>> -> memref<128x256xf32, #tpu.memory_space<vmem>>
      %dma_wait3A_855 = arith.constant 0 : i32
      %dma_wait3A_856 = arith.constant 0 : i32
      %dma_wait3A_857 = tpu.memref_slice %arg4[%dma_wait3A_855, %dma_wait3A_856] : memref<16384x3328xf32, #tpu.memory_space<hbm>> -> memref<128x256xf32, #tpu.memory_space<hbm>>
      %dma_wait3A_858 = arith.constant 0 : i32
      %dma_wait3A_859 = arith.constant 0 : i32
      %dma_wait3A_860 = tpu.memref_slice %arg6[%scan3A_206, %dma_wait3A_858, %dma_wait3A_859] : memref<3x128x256xf32, #tpu.memory_space<vmem>> -> memref<1x128x256xf32, #tpu.memory_space<vmem>>
      %dma_wait3A_861 = tpu.memref_squeeze %dma_wait3A_860 : memref<1x128x256xf32, #tpu.memory_space<vmem>> -> memref<128x256xf32, #tpu.memory_space<vmem>>
      %dma_wait3A_862 = arith.constant 0 : i32
      %dma_wait3A_863 = arith.constant 0 : i32
      %dma_wait3A_864 = tpu.memref_slice %arg4[%dma_wait3A_862, %dma_wait3A_863] : memref<16384x3328xf32, #tpu.memory_space<hbm>> -> memref<128x256xf32, #tpu.memory_space<hbm>>
      tpu.wait_dma2 semaphore(%arg8 : memref<!tpu.dma_semaphore, #tpu.memory_space<semaphore_mem>>) src(%dma_wait3A_864 : memref<128x256xf32, #tpu.memory_space<hbm>>) dst(%dma_wait3A_861 : memref<128x256xf32, #tpu.memory_space<vmem>>)
      %add3A_865 = arith.addi %mul3A_2, %add3A_850 : i32
      %jit3A_866 = arith.constant 13 : i32
      %div3A_867 = arith.divsi %add3A_865, %jit3A_866 : i32
      %sign3A_868 = arith.constant 0 : i32
      %sign3A_869 = arith.cmpi sgt, %add3A_865, %sign3A_868 : i32
      %sign3A_870 = arith.extui %sign3A_869 : i1 to i32
      %sign3A_871 = arith.constant 0 : i32
      %sign3A_872 = arith.cmpi slt, %add3A_865, %sign3A_871 : i32
      %sign3A_873 = arith.extui %sign3A_872 : i1 to i32
      %sign3A_874 = arith.subi %sign3A_870, %sign3A_873 : i32
      %sign3A_875 = arith.constant 0 : i32
      %sign3A_876 = arith.cmpi sgt, %jit3A_866, %sign3A_875 : i32
      %sign3A_877 = arith.extui %sign3A_876 : i1 to i32
      %sign3A_878 = arith.constant 0 : i32
      %sign3A_879 = arith.cmpi slt, %jit3A_866, %sign3A_878 : i32
      %sign3A_880 = arith.extui %sign3A_879 : i1 to i32
      %sign3A_881 = arith.subi %sign3A_877, %sign3A_880 : i32
      %ne3A_882 = arith.cmpi ne, %sign3A_874, %sign3A_881 : i32
      %rem3A_883 = arith.remsi %add3A_865, %jit3A_866 : i32
      %ne3A_884 = arith.constant 0 : i32
      %ne3A_885 = arith.cmpi ne, %rem3A_883, %ne3A_884 : i32
      %and3A_886 = arith.andi %ne3A_882, %ne3A_885 : i1
      %sub3A_887 = arith.constant 1 : i32
      %sub3A_888 = arith.subi %div3A_867, %sub3A_887 : i32
      %select_n3A_889 = arith.select %and3A_886, %sub3A_888, %div3A_867 : i32
      %mul3A_890 = arith.constant 13 : i32
      %mul3A_891 = arith.muli %select_n3A_889, %mul3A_890 : i32
      %sub3A_892 = arith.subi %add3A_865, %mul3A_891 : i32
      %mul3A_893 = arith.constant 2 : i32
      %mul3A_894 = arith.muli %sub3A_892, %mul3A_893 : i32
      %mul3A_895 = arith.constant 128 : i32
      %mul3A_896 = arith.muli %select_n3A_889, %mul3A_895 : i32
      %mul3A_897 = arith.constant 128 : i32
      %mul3A_898 = arith.muli %mul3A_894, %mul3A_897 : i32
      %dma_start3A_899 = arith.constant 0 : i32
      %dma_start3A_900 = arith.constant 0 : i32
      %dma_start3A_901 = tpu.memref_slice %arg6[%scan3A_206, %dma_start3A_899, %dma_start3A_900] : memref<3x128x256xf32, #tpu.memory_space<vmem>> -> memref<1x128x256xf32, #tpu.memory_space<vmem>>
      %dma_start3A_902 = tpu.memref_squeeze %dma_start3A_901 : memref<1x128x256xf32, #tpu.memory_space<vmem>> -> memref<128x256xf32, #tpu.memory_space<vmem>>
      %dma_start3A_903 = tpu.memref_slice %arg4[%mul3A_896, %mul3A_898] : memref<16384x3328xf32, #tpu.memory_space<hbm>> -> memref<128x256xf32, #tpu.memory_space<hbm>>
      %dma_start3A_904 = tpu.memref_slice %arg4[%mul3A_896, %mul3A_898] : memref<16384x3328xf32, #tpu.memory_space<hbm>> -> memref<128x256xf32, #tpu.memory_space<hbm>>
      %dma_start3A_905 = arith.constant 0 : i32
      %dma_start3A_906 = arith.constant 0 : i32
      %dma_start3A_907 = tpu.memref_slice %arg6[%scan3A_206, %dma_start3A_905, %dma_start3A_906] : memref<3x128x256xf32, #tpu.memory_space<vmem>> -> memref<1x128x256xf32, #tpu.memory_space<vmem>>
      %dma_start3A_908 = tpu.memref_squeeze %dma_start3A_907 : memref<1x128x256xf32, #tpu.memory_space<vmem>> -> memref<128x256xf32, #tpu.memory_space<vmem>>
      tpu.enqueue_dma source(%dma_start3A_908 : memref<128x256xf32, #tpu.memory_space<vmem>>) target(%dma_start3A_904 : memref<128x256xf32, #tpu.memory_space<hbm>>) target_semaphore(%arg11 : memref<!tpu.dma_semaphore, #tpu.memory_space<semaphore_mem>>)
      %sub3A_909 = arith.constant 2 : i32
      %sub3A_910 = arith.subi %add3A_850, %sub3A_909 : i32
      %add3A_911 = arith.addi %mul3A_2, %sub3A_910 : i32
      %jit3A_912 = arith.constant 13 : i32
      %div3A_913 = arith.divsi %add3A_911, %jit3A_912 : i32
      %sign3A_914 = arith.constant 0 : i32
      %sign3A_915 = arith.cmpi sgt, %add3A_911, %sign3A_914 : i32
      %sign3A_916 = arith.extui %sign3A_915 : i1 to i32
      %sign3A_917 = arith.constant 0 : i32
      %sign3A_918 = arith.cmpi slt, %add3A_911, %sign3A_917 : i32
      %sign3A_919 = arith.extui %sign3A_918 : i1 to i32
      %sign3A_920 = arith.subi %sign3A_916, %sign3A_919 : i32
      %sign3A_921 = arith.constant 0 : i32
      %sign3A_922 = arith.cmpi sgt, %jit3A_912, %sign3A_921 : i32
      %sign3A_923 = arith.extui %sign3A_922 : i1 to i32
      %sign3A_924 = arith.constant 0 : i32
      %sign3A_925 = arith.cmpi slt, %jit3A_912, %sign3A_924 : i32
      %sign3A_926 = arith.extui %sign3A_925 : i1 to i32
      %sign3A_927 = arith.subi %sign3A_923, %sign3A_926 : i32
      %ne3A_928 = arith.cmpi ne, %sign3A_920, %sign3A_927 : i32
      %rem3A_929 = arith.remsi %add3A_911, %jit3A_912 : i32
      %ne3A_930 = arith.constant 0 : i32
      %ne3A_931 = arith.cmpi ne, %rem3A_929, %ne3A_930 : i32
      %and3A_932 = arith.andi %ne3A_928, %ne3A_931 : i1
      %sub3A_933 = arith.constant 1 : i32
      %sub3A_934 = arith.subi %div3A_913, %sub3A_933 : i32
      %select_n3A_935 = arith.select %and3A_932, %sub3A_934, %div3A_913 : i32
      %mul3A_936 = arith.constant 13 : i32
      %mul3A_937 = arith.muli %select_n3A_935, %mul3A_936 : i32
      %sub3A_938 = arith.subi %add3A_911, %mul3A_937 : i32
      %mul3A_939 = arith.constant 2 : i32
      %mul3A_940 = arith.muli %sub3A_938, %mul3A_939 : i32
      %mul3A_941 = arith.constant 128 : i32
      %mul3A_942 = arith.muli %select_n3A_935, %mul3A_941 : i32
      %mul3A_943 = arith.constant 128 : i32
      %mul3A_944 = arith.muli %mul3A_940, %mul3A_943 : i32
      %dma_wait3A_945 = arith.constant 0 : i32
      %dma_wait3A_946 = arith.constant 0 : i32
      %dma_wait3A_947 = tpu.memref_slice %arg6[%scan3A, %dma_wait3A_945, %dma_wait3A_946] : memref<3x128x256xf32, #tpu.memory_space<vmem>> -> memref<1x128x256xf32, #tpu.memory_space<vmem>>
      %dma_wait3A_948 = tpu.memref_squeeze %dma_wait3A_947 : memref<1x128x256xf32, #tpu.memory_space<vmem>> -> memref<128x256xf32, #tpu.memory_space<vmem>>
      %dma_wait3A_949 = tpu.memref_slice %arg4[%mul3A_942, %mul3A_944] : memref<16384x3328xf32, #tpu.memory_space<hbm>> -> memref<128x256xf32, #tpu.memory_space<hbm>>
      %dma_wait3A_950 = tpu.memref_slice %arg4[%mul3A_942, %mul3A_944] : memref<16384x3328xf32, #tpu.memory_space<hbm>> -> memref<128x256xf32, #tpu.memory_space<hbm>>
      %dma_wait3A_951 = arith.constant 0 : i32
      %dma_wait3A_952 = arith.constant 0 : i32
      %dma_wait3A_953 = tpu.memref_slice %arg6[%scan3A, %dma_wait3A_951, %dma_wait3A_952] : memref<3x128x256xf32, #tpu.memory_space<vmem>> -> memref<1x128x256xf32, #tpu.memory_space<vmem>>
      %dma_wait3A_954 = tpu.memref_squeeze %dma_wait3A_953 : memref<1x128x256xf32, #tpu.memory_space<vmem>> -> memref<128x256xf32, #tpu.memory_space<vmem>>
      tpu.wait_dma2 semaphore(%arg12 : memref<!tpu.dma_semaphore, #tpu.memory_space<semaphore_mem>>) src(%dma_wait3A_954 : memref<128x256xf32, #tpu.memory_space<vmem>>) dst(%dma_wait3A_950 : memref<128x256xf32, #tpu.memory_space<hbm>>)
      %add3A_955 = arith.constant 1 : i32
      %add3A_956 = arith.addi %add3A_850, %add3A_955 : i32
      %mul3A_957 = arith.constant 2 : i32
      %mul3A_958 = arith.muli %add3A_956, %mul3A_957 : i32
      %add3A_959 = arith.constant 0 : i32
      %add3A_960 = arith.addi %mul3A_958, %add3A_959 : i32
      %dma_start3A_961 = arith.constant 0 : i32
      %dma_start3A_962 = arith.constant 0 : i32
      %dma_start3A_963 = tpu.memref_slice %arg6[%scan3A, %dma_start3A_961, %dma_start3A_962] : memref<3x128x256xf32, #tpu.memory_space<vmem>> -> memref<1x128x256xf32, #tpu.memory_space<vmem>>
      %dma_start3A_964 = tpu.memref_squeeze %dma_start3A_963 : memref<1x128x256xf32, #tpu.memory_space<vmem>> -> memref<128x256xf32, #tpu.memory_space<vmem>>
      %dma_start3A_965 = arith.constant 0 : i32
      %dma_start3A_966 = arith.constant 0 : i32
      %dma_start3A_967 = tpu.memref_slice %dma_start3A_964[%dma_start3A_965, %dma_start3A_966] : memref<128x256xf32, #tpu.memory_space<vmem>> -> memref<128x128xf32, #tpu.memory_space<vmem>>
      %dma_start3A_968 = arith.constant 0 : i32
      %dma_start3A_969 = tpu.memref_slice %arg5[%add3A_960, %dma_start3A_968] : memref<104x128xi32, #tpu.memory_space<vmem>> -> memref<1x128xi32, #tpu.memory_space<vmem>>
      %dma_start3A_970 = tpu.memref_squeeze %dma_start3A_969 : memref<1x128xi32, #tpu.memory_space<vmem>> -> memref<128xi32, #tpu.memory_space<vmem>>
      %dma_start3A_971 = arith.constant 0 : i32
      %dma_start3A_972 = arith.constant 0 : i32
      %dma_start3A_973 = tpu.memref_slice %arg3[%dma_start3A_971, %dma_start3A_972] : memref<2600000x128xf32, #tpu.memory_space<hbm>> -> memref<2600000x128xf32, #tpu.memory_space<hbm>>
      tpu.enqueue_indirect_dma source(%dma_start3A_973 : memref<2600000x128xf32, #tpu.memory_space<hbm>>) target(%dma_start3A_967 : memref<128x128xf32, #tpu.memory_space<vmem>>) offsets(%dma_start3A_970 : memref<128xi32, #tpu.memory_space<vmem>>) semaphore(%arg9 : memref<!tpu.dma_semaphore, #tpu.memory_space<semaphore_mem>>)
      %mul3A_974 = arith.constant 2 : i32
      %mul3A_975 = arith.muli %add3A_956, %mul3A_974 : i32
      %add3A_976 = arith.constant 1 : i32
      %add3A_977 = arith.addi %mul3A_975, %add3A_976 : i32
      %dma_start3A_978 = arith.constant 0 : i32
      %dma_start3A_979 = arith.constant 0 : i32
      %dma_start3A_980 = tpu.memref_slice %arg6[%scan3A, %dma_start3A_978, %dma_start3A_979] : memref<3x128x256xf32, #tpu.memory_space<vmem>> -> memref<1x128x256xf32, #tpu.memory_space<vmem>>
      %dma_start3A_981 = tpu.memref_squeeze %dma_start3A_980 : memref<1x128x256xf32, #tpu.memory_space<vmem>> -> memref<128x256xf32, #tpu.memory_space<vmem>>
      %dma_start3A_982 = arith.constant 0 : i32
      %dma_start3A_983 = arith.constant 128 : i32
      %dma_start3A_984 = tpu.memref_slice %dma_start3A_981[%dma_start3A_982, %dma_start3A_983] : memref<128x256xf32, #tpu.memory_space<vmem>> -> memref<128x128xf32, #tpu.memory_space<vmem>>
      %dma_start3A_985 = arith.constant 0 : i32
      %dma_start3A_986 = tpu.memref_slice %arg5[%add3A_977, %dma_start3A_985] : memref<104x128xi32, #tpu.memory_space<vmem>> -> memref<1x128xi32, #tpu.memory_space<vmem>>
      %dma_start3A_987 = tpu.memref_squeeze %dma_start3A_986 : memref<1x128xi32, #tpu.memory_space<vmem>> -> memref<128xi32, #tpu.memory_space<vmem>>
      %dma_start3A_988 = arith.constant 0 : i32
      %dma_start3A_989 = arith.constant 0 : i32
      %dma_start3A_990 = tpu.memref_slice %arg3[%dma_start3A_988, %dma_start3A_989] : memref<2600000x128xf32, #tpu.memory_space<hbm>> -> memref<2600000x128xf32, #tpu.memory_space<hbm>>
      tpu.enqueue_indirect_dma source(%dma_start3A_990 : memref<2600000x128xf32, #tpu.memory_space<hbm>>) target(%dma_start3A_984 : memref<128x128xf32, #tpu.memory_space<vmem>>) offsets(%dma_start3A_987 : memref<128xi32, #tpu.memory_space<vmem>>) semaphore(%arg9 : memref<!tpu.dma_semaphore, #tpu.memory_space<semaphore_mem>>)
    }
    %scan3A_211 = arith.constant 16 : i32
    %dma_wait3A_212 = arith.constant 2 : i32
    %dma_wait3A_213 = arith.constant 0 : i32
    %dma_wait3A_214 = arith.constant 0 : i32
    %dma_wait3A_215 = tpu.memref_slice %arg6[%dma_wait3A_212, %dma_wait3A_213, %dma_wait3A_214] : memref<3x128x256xf32, #tpu.memory_space<vmem>> -> memref<1x128x256xf32, #tpu.memory_space<vmem>>
    %dma_wait3A_216 = tpu.memref_squeeze %dma_wait3A_215 : memref<1x128x256xf32, #tpu.memory_space<vmem>> -> memref<128x256xf32, #tpu.memory_space<vmem>>
    %dma_wait3A_217 = arith.constant 0 : i32
    %dma_wait3A_218 = arith.constant 0 : i32
    %dma_wait3A_219 = tpu.memref_slice %arg4[%dma_wait3A_217, %dma_wait3A_218] : memref<16384x3328xf32, #tpu.memory_space<hbm>> -> memref<128x256xf32, #tpu.memory_space<hbm>>
    %dma_wait3A_220 = arith.constant 0 : i32
    %dma_wait3A_221 = arith.constant 0 : i32
    %dma_wait3A_222 = tpu.memref_slice %arg6[%dma_wait3A_212, %dma_wait3A_220, %dma_wait3A_221] : memref<3x128x256xf32, #tpu.memory_space<vmem>> -> memref<1x128x256xf32, #tpu.memory_space<vmem>>
    %dma_wait3A_223 = tpu.memref_squeeze %dma_wait3A_222 : memref<1x128x256xf32, #tpu.memory_space<vmem>> -> memref<128x256xf32, #tpu.memory_space<vmem>>
    %dma_wait3A_224 = arith.constant 0 : i32
    %dma_wait3A_225 = arith.constant 0 : i32
    %dma_wait3A_226 = tpu.memref_slice %arg4[%dma_wait3A_224, %dma_wait3A_225] : memref<16384x3328xf32, #tpu.memory_space<hbm>> -> memref<128x256xf32, #tpu.memory_space<hbm>>
    tpu.wait_dma2 semaphore(%arg9 : memref<!tpu.dma_semaphore, #tpu.memory_space<semaphore_mem>>) src(%dma_wait3A_226 : memref<128x256xf32, #tpu.memory_space<hbm>>) dst(%dma_wait3A_223 : memref<128x256xf32, #tpu.memory_space<vmem>>)
    %add3A_227 = arith.constant 50 : i32
    %add3A_228 = arith.addi %mul3A_2, %add3A_227 : i32
    %jit3A_229 = arith.constant 13 : i32
    %div3A_230 = arith.divsi %add3A_228, %jit3A_229 : i32
    %sign3A_231 = arith.constant 0 : i32
    %sign3A_232 = arith.cmpi sgt, %add3A_228, %sign3A_231 : i32
    %sign3A_233 = arith.extui %sign3A_232 : i1 to i32
    %sign3A_234 = arith.constant 0 : i32
    %sign3A_235 = arith.cmpi slt, %add3A_228, %sign3A_234 : i32
    %sign3A_236 = arith.extui %sign3A_235 : i1 to i32
    %sign3A_237 = arith.subi %sign3A_233, %sign3A_236 : i32
    %sign3A_238 = arith.constant 0 : i32
    %sign3A_239 = arith.cmpi sgt, %jit3A_229, %sign3A_238 : i32
    %sign3A_240 = arith.extui %sign3A_239 : i1 to i32
    %sign3A_241 = arith.constant 0 : i32
    %sign3A_242 = arith.cmpi slt, %jit3A_229, %sign3A_241 : i32
    %sign3A_243 = arith.extui %sign3A_242 : i1 to i32
    %sign3A_244 = arith.subi %sign3A_240, %sign3A_243 : i32
    %ne3A_245 = arith.cmpi ne, %sign3A_237, %sign3A_244 : i32
    %rem3A_246 = arith.remsi %add3A_228, %jit3A_229 : i32
    %ne3A_247 = arith.constant 0 : i32
    %ne3A_248 = arith.cmpi ne, %rem3A_246, %ne3A_247 : i32
    %and3A_249 = arith.andi %ne3A_245, %ne3A_248 : i1
    %sub3A_250 = arith.constant 1 : i32
    %sub3A_251 = arith.subi %div3A_230, %sub3A_250 : i32
    %select_n3A_252 = arith.select %and3A_249, %sub3A_251, %div3A_230 : i32
    %mul3A_253 = arith.constant 13 : i32
    %mul3A_254 = arith.muli %select_n3A_252, %mul3A_253 : i32
    %sub3A_255 = arith.subi %add3A_228, %mul3A_254 : i32
    %mul3A_256 = arith.constant 2 : i32
    %mul3A_257 = arith.muli %sub3A_255, %mul3A_256 : i32
    %mul3A_258 = arith.constant 128 : i32
    %mul3A_259 = arith.muli %select_n3A_252, %mul3A_258 : i32
    %mul3A_260 = arith.constant 128 : i32
    %mul3A_261 = arith.muli %mul3A_257, %mul3A_260 : i32
    %dma_start3A_262 = arith.constant 2 : i32
    %dma_start3A_263 = arith.constant 0 : i32
    %dma_start3A_264 = arith.constant 0 : i32
    %dma_start3A_265 = tpu.memref_slice %arg6[%dma_start3A_262, %dma_start3A_263, %dma_start3A_264] : memref<3x128x256xf32, #tpu.memory_space<vmem>> -> memref<1x128x256xf32, #tpu.memory_space<vmem>>
    %dma_start3A_266 = tpu.memref_squeeze %dma_start3A_265 : memref<1x128x256xf32, #tpu.memory_space<vmem>> -> memref<128x256xf32, #tpu.memory_space<vmem>>
    %dma_start3A_267 = tpu.memref_slice %arg4[%mul3A_259, %mul3A_261] : memref<16384x3328xf32, #tpu.memory_space<hbm>> -> memref<128x256xf32, #tpu.memory_space<hbm>>
    %dma_start3A_268 = tpu.memref_slice %arg4[%mul3A_259, %mul3A_261] : memref<16384x3328xf32, #tpu.memory_space<hbm>> -> memref<128x256xf32, #tpu.memory_space<hbm>>
    %dma_start3A_269 = arith.constant 0 : i32
    %dma_start3A_270 = arith.constant 0 : i32
    %dma_start3A_271 = tpu.memref_slice %arg6[%dma_start3A_262, %dma_start3A_269, %dma_start3A_270] : memref<3x128x256xf32, #tpu.memory_space<vmem>> -> memref<1x128x256xf32, #tpu.memory_space<vmem>>
    %dma_start3A_272 = tpu.memref_squeeze %dma_start3A_271 : memref<1x128x256xf32, #tpu.memory_space<vmem>> -> memref<128x256xf32, #tpu.memory_space<vmem>>
    tpu.enqueue_dma source(%dma_start3A_272 : memref<128x256xf32, #tpu.memory_space<vmem>>) target(%dma_start3A_268 : memref<128x256xf32, #tpu.memory_space<hbm>>) target_semaphore(%arg12 : memref<!tpu.dma_semaphore, #tpu.memory_space<semaphore_mem>>)
    %add3A_273 = arith.constant 48 : i32
    %add3A_274 = arith.addi %mul3A_2, %add3A_273 : i32
    %jit3A_275 = arith.constant 13 : i32
    %div3A_276 = arith.divsi %add3A_274, %jit3A_275 : i32
    %sign3A_277 = arith.constant 0 : i32
    %sign3A_278 = arith.cmpi sgt, %add3A_274, %sign3A_277 : i32
    %sign3A_279 = arith.extui %sign3A_278 : i1 to i32
    %sign3A_280 = arith.constant 0 : i32
    %sign3A_281 = arith.cmpi slt, %add3A_274, %sign3A_280 : i32
    %sign3A_282 = arith.extui %sign3A_281 : i1 to i32
    %sign3A_283 = arith.subi %sign3A_279, %sign3A_282 : i32
    %sign3A_284 = arith.constant 0 : i32
    %sign3A_285 = arith.cmpi sgt, %jit3A_275, %sign3A_284 : i32
    %sign3A_286 = arith.extui %sign3A_285 : i1 to i32
    %sign3A_287 = arith.constant 0 : i32
    %sign3A_288 = arith.cmpi slt, %jit3A_275, %sign3A_287 : i32
    %sign3A_289 = arith.extui %sign3A_288 : i1 to i32
    %sign3A_290 = arith.subi %sign3A_286, %sign3A_289 : i32
    %ne3A_291 = arith.cmpi ne, %sign3A_283, %sign3A_290 : i32
    %rem3A_292 = arith.remsi %add3A_274, %jit3A_275 : i32
    %ne3A_293 = arith.constant 0 : i32
    %ne3A_294 = arith.cmpi ne, %rem3A_292, %ne3A_293 : i32
    %and3A_295 = arith.andi %ne3A_291, %ne3A_294 : i1
    %sub3A_296 = arith.constant 1 : i32
    %sub3A_297 = arith.subi %div3A_276, %sub3A_296 : i32
    %select_n3A_298 = arith.select %and3A_295, %sub3A_297, %div3A_276 : i32
    %mul3A_299 = arith.constant 13 : i32
    %mul3A_300 = arith.muli %select_n3A_298, %mul3A_299 : i32
    %sub3A_301 = arith.subi %add3A_274, %mul3A_300 : i32
    %mul3A_302 = arith.constant 2 : i32
    %mul3A_303 = arith.muli %sub3A_301, %mul3A_302 : i32
    %mul3A_304 = arith.constant 128 : i32
    %mul3A_305 = arith.muli %select_n3A_298, %mul3A_304 : i32
    %mul3A_306 = arith.constant 128 : i32
    %mul3A_307 = arith.muli %mul3A_303, %mul3A_306 : i32
    %dma_wait3A_308 = arith.constant 0 : i32
    %dma_wait3A_309 = arith.constant 0 : i32
    %dma_wait3A_310 = arith.constant 0 : i32
    %dma_wait3A_311 = tpu.memref_slice %arg6[%dma_wait3A_308, %dma_wait3A_309, %dma_wait3A_310] : memref<3x128x256xf32, #tpu.memory_space<vmem>> -> memref<1x128x256xf32, #tpu.memory_space<vmem>>
    %dma_wait3A_312 = tpu.memref_squeeze %dma_wait3A_311 : memref<1x128x256xf32, #tpu.memory_space<vmem>> -> memref<128x256xf32, #tpu.memory_space<vmem>>
    %dma_wait3A_313 = tpu.memref_slice %arg4[%mul3A_305, %mul3A_307] : memref<16384x3328xf32, #tpu.memory_space<hbm>> -> memref<128x256xf32, #tpu.memory_space<hbm>>
    %dma_wait3A_314 = tpu.memref_slice %arg4[%mul3A_305, %mul3A_307] : memref<16384x3328xf32, #tpu.memory_space<hbm>> -> memref<128x256xf32, #tpu.memory_space<hbm>>
    %dma_wait3A_315 = arith.constant 0 : i32
    %dma_wait3A_316 = arith.constant 0 : i32
    %dma_wait3A_317 = tpu.memref_slice %arg6[%dma_wait3A_308, %dma_wait3A_315, %dma_wait3A_316] : memref<3x128x256xf32, #tpu.memory_space<vmem>> -> memref<1x128x256xf32, #tpu.memory_space<vmem>>
    %dma_wait3A_318 = tpu.memref_squeeze %dma_wait3A_317 : memref<1x128x256xf32, #tpu.memory_space<vmem>> -> memref<128x256xf32, #tpu.memory_space<vmem>>
    tpu.wait_dma2 semaphore(%arg10 : memref<!tpu.dma_semaphore, #tpu.memory_space<semaphore_mem>>) src(%dma_wait3A_318 : memref<128x256xf32, #tpu.memory_space<vmem>>) dst(%dma_wait3A_314 : memref<128x256xf32, #tpu.memory_space<hbm>>)
    %dma_start3A_319 = arith.constant 102 : i32
    %dma_start3A_320 = arith.constant 0 : i32
    %dma_start3A_321 = arith.constant 0 : i32
    %dma_start3A_322 = arith.constant 0 : i32
    %dma_start3A_323 = tpu.memref_slice %arg6[%dma_start3A_320, %dma_start3A_321, %dma_start3A_322] : memref<3x128x256xf32, #tpu.memory_space<vmem>> -> memref<1x128x256xf32, #tpu.memory_space<vmem>>
    %dma_start3A_324 = tpu.memref_squeeze %dma_start3A_323 : memref<1x128x256xf32, #tpu.memory_space<vmem>> -> memref<128x256xf32, #tpu.memory_space<vmem>>
    %dma_start3A_325 = arith.constant 0 : i32
    %dma_start3A_326 = arith.constant 0 : i32
    %dma_start3A_327 = tpu.memref_slice %dma_start3A_324[%dma_start3A_325, %dma_start3A_326] : memref<128x256xf32, #tpu.memory_space<vmem>> -> memref<128x128xf32, #tpu.memory_space<vmem>>
    %dma_start3A_328 = arith.constant 0 : i32
    %dma_start3A_329 = tpu.memref_slice %arg5[%dma_start3A_319, %dma_start3A_328] : memref<104x128xi32, #tpu.memory_space<vmem>> -> memref<1x128xi32, #tpu.memory_space<vmem>>
    %dma_start3A_330 = tpu.memref_squeeze %dma_start3A_329 : memref<1x128xi32, #tpu.memory_space<vmem>> -> memref<128xi32, #tpu.memory_space<vmem>>
    %dma_start3A_331 = arith.constant 0 : i32
    %dma_start3A_332 = arith.constant 0 : i32
    %dma_start3A_333 = tpu.memref_slice %arg3[%dma_start3A_331, %dma_start3A_332] : memref<2600000x128xf32, #tpu.memory_space<hbm>> -> memref<2600000x128xf32, #tpu.memory_space<hbm>>
    tpu.enqueue_indirect_dma source(%dma_start3A_333 : memref<2600000x128xf32, #tpu.memory_space<hbm>>) target(%dma_start3A_327 : memref<128x128xf32, #tpu.memory_space<vmem>>) offsets(%dma_start3A_330 : memref<128xi32, #tpu.memory_space<vmem>>) semaphore(%arg7 : memref<!tpu.dma_semaphore, #tpu.memory_space<semaphore_mem>>)
    %dma_start3A_334 = arith.constant 103 : i32
    %dma_start3A_335 = arith.constant 0 : i32
    %dma_start3A_336 = arith.constant 0 : i32
    %dma_start3A_337 = arith.constant 0 : i32
    %dma_start3A_338 = tpu.memref_slice %arg6[%dma_start3A_335, %dma_start3A_336, %dma_start3A_337] : memref<3x128x256xf32, #tpu.memory_space<vmem>> -> memref<1x128x256xf32, #tpu.memory_space<vmem>>
    %dma_start3A_339 = tpu.memref_squeeze %dma_start3A_338 : memref<1x128x256xf32, #tpu.memory_space<vmem>> -> memref<128x256xf32, #tpu.memory_space<vmem>>
    %dma_start3A_340 = arith.constant 0 : i32
    %dma_start3A_341 = arith.constant 128 : i32
    %dma_start3A_342 = tpu.memref_slice %dma_start3A_339[%dma_start3A_340, %dma_start3A_341] : memref<128x256xf32, #tpu.memory_space<vmem>> -> memref<128x128xf32, #tpu.memory_space<vmem>>
    %dma_start3A_343 = arith.constant 0 : i32
    %dma_start3A_344 = tpu.memref_slice %arg5[%dma_start3A_334, %dma_start3A_343] : memref<104x128xi32, #tpu.memory_space<vmem>> -> memref<1x128xi32, #tpu.memory_space<vmem>>
    %dma_start3A_345 = tpu.memref_squeeze %dma_start3A_344 : memref<1x128xi32, #tpu.memory_space<vmem>> -> memref<128xi32, #tpu.memory_space<vmem>>
    %dma_start3A_346 = arith.constant 0 : i32
    %dma_start3A_347 = arith.constant 0 : i32
    %dma_start3A_348 = tpu.memref_slice %arg3[%dma_start3A_346, %dma_start3A_347] : memref<2600000x128xf32, #tpu.memory_space<hbm>> -> memref<2600000x128xf32, #tpu.memory_space<hbm>>
    tpu.enqueue_indirect_dma source(%dma_start3A_348 : memref<2600000x128xf32, #tpu.memory_space<hbm>>) target(%dma_start3A_342 : memref<128x128xf32, #tpu.memory_space<vmem>>) offsets(%dma_start3A_345 : memref<128xi32, #tpu.memory_space<vmem>>) semaphore(%arg7 : memref<!tpu.dma_semaphore, #tpu.memory_space<semaphore_mem>>)
    %dma_wait3A_349 = arith.constant 0 : i32
    %dma_wait3A_350 = arith.constant 0 : i32
    %dma_wait3A_351 = arith.constant 0 : i32
    %dma_wait3A_352 = tpu.memref_slice %arg6[%dma_wait3A_349, %dma_wait3A_350, %dma_wait3A_351] : memref<3x128x256xf32, #tpu.memory_space<vmem>> -> memref<1x128x256xf32, #tpu.memory_space<vmem>>
    %dma_wait3A_353 = tpu.memref_squeeze %dma_wait3A_352 : memref<1x128x256xf32, #tpu.memory_space<vmem>> -> memref<128x256xf32, #tpu.memory_space<vmem>>
    %dma_wait3A_354 = arith.constant 0 : i32
    %dma_wait3A_355 = arith.constant 0 : i32
    %dma_wait3A_356 = tpu.memref_slice %arg4[%dma_wait3A_354, %dma_wait3A_355] : memref<16384x3328xf32, #tpu.memory_space<hbm>> -> memref<128x256xf32, #tpu.memory_space<hbm>>
    %dma_wait3A_357 = arith.constant 0 : i32
    %dma_wait3A_358 = arith.constant 0 : i32
    %dma_wait3A_359 = tpu.memref_slice %arg6[%dma_wait3A_349, %dma_wait3A_357, %dma_wait3A_358] : memref<3x128x256xf32, #tpu.memory_space<vmem>> -> memref<1x128x256xf32, #tpu.memory_space<vmem>>
    %dma_wait3A_360 = tpu.memref_squeeze %dma_wait3A_359 : memref<1x128x256xf32, #tpu.memory_space<vmem>> -> memref<128x256xf32, #tpu.memory_space<vmem>>
    %dma_wait3A_361 = arith.constant 0 : i32
    %dma_wait3A_362 = arith.constant 0 : i32
    %dma_wait3A_363 = tpu.memref_slice %arg4[%dma_wait3A_361, %dma_wait3A_362] : memref<16384x3328xf32, #tpu.memory_space<hbm>> -> memref<128x256xf32, #tpu.memory_space<hbm>>
    tpu.wait_dma2 semaphore(%arg7 : memref<!tpu.dma_semaphore, #tpu.memory_space<semaphore_mem>>) src(%dma_wait3A_363 : memref<128x256xf32, #tpu.memory_space<hbm>>) dst(%dma_wait3A_360 : memref<128x256xf32, #tpu.memory_space<vmem>>)
    %add3A_364 = arith.constant 51 : i32
    %add3A_365 = arith.addi %mul3A_2, %add3A_364 : i32
    %jit3A_366 = arith.constant 13 : i32
    %div3A_367 = arith.divsi %add3A_365, %jit3A_366 : i32
    %sign3A_368 = arith.constant 0 : i32
    %sign3A_369 = arith.cmpi sgt, %add3A_365, %sign3A_368 : i32
    %sign3A_370 = arith.extui %sign3A_369 : i1 to i32
    %sign3A_371 = arith.constant 0 : i32
    %sign3A_372 = arith.cmpi slt, %add3A_365, %sign3A_371 : i32
    %sign3A_373 = arith.extui %sign3A_372 : i1 to i32
    %sign3A_374 = arith.subi %sign3A_370, %sign3A_373 : i32
    %sign3A_375 = arith.constant 0 : i32
    %sign3A_376 = arith.cmpi sgt, %jit3A_366, %sign3A_375 : i32
    %sign3A_377 = arith.extui %sign3A_376 : i1 to i32
    %sign3A_378 = arith.constant 0 : i32
    %sign3A_379 = arith.cmpi slt, %jit3A_366, %sign3A_378 : i32
    %sign3A_380 = arith.extui %sign3A_379 : i1 to i32
    %sign3A_381 = arith.subi %sign3A_377, %sign3A_380 : i32
    %ne3A_382 = arith.cmpi ne, %sign3A_374, %sign3A_381 : i32
    %rem3A_383 = arith.remsi %add3A_365, %jit3A_366 : i32
    %ne3A_384 = arith.constant 0 : i32
    %ne3A_385 = arith.cmpi ne, %rem3A_383, %ne3A_384 : i32
    %and3A_386 = arith.andi %ne3A_382, %ne3A_385 : i1
    %sub3A_387 = arith.constant 1 : i32
    %sub3A_388 = arith.subi %div3A_367, %sub3A_387 : i32
    %select_n3A_389 = arith.select %and3A_386, %sub3A_388, %div3A_367 : i32
    %mul3A_390 = arith.constant 13 : i32
    %mul3A_391 = arith.muli %select_n3A_389, %mul3A_390 : i32
    %sub3A_392 = arith.subi %add3A_365, %mul3A_391 : i32
    %mul3A_393 = arith.constant 2 : i32
    %mul3A_394 = arith.muli %sub3A_392, %mul3A_393 : i32
    %mul3A_395 = arith.constant 128 : i32
    %mul3A_396 = arith.muli %select_n3A_389, %mul3A_395 : i32
    %mul3A_397 = arith.constant 128 : i32
    %mul3A_398 = arith.muli %mul3A_394, %mul3A_397 : i32
    %dma_start3A_399 = arith.constant 0 : i32
    %dma_start3A_400 = arith.constant 0 : i32
    %dma_start3A_401 = arith.constant 0 : i32
    %dma_start3A_402 = tpu.memref_slice %arg6[%dma_start3A_399, %dma_start3A_400, %dma_start3A_401] : memref<3x128x256xf32, #tpu.memory_space<vmem>> -> memref<1x128x256xf32, #tpu.memory_space<vmem>>
    %dma_start3A_403 = tpu.memref_squeeze %dma_start3A_402 : memref<1x128x256xf32, #tpu.memory_space<vmem>> -> memref<128x256xf32, #tpu.memory_space<vmem>>
    %dma_start3A_404 = tpu.memref_slice %arg4[%mul3A_396, %mul3A_398] : memref<16384x3328xf32, #tpu.memory_space<hbm>> -> memref<128x256xf32, #tpu.memory_space<hbm>>
    %dma_start3A_405 = tpu.memref_slice %arg4[%mul3A_396, %mul3A_398] : memref<16384x3328xf32, #tpu.memory_space<hbm>> -> memref<128x256xf32, #tpu.memory_space<hbm>>
    %dma_start3A_406 = arith.constant 0 : i32
    %dma_start3A_407 = arith.constant 0 : i32
    %dma_start3A_408 = tpu.memref_slice %arg6[%dma_start3A_399, %dma_start3A_406, %dma_start3A_407] : memref<3x128x256xf32, #tpu.memory_space<vmem>> -> memref<1x128x256xf32, #tpu.memory_space<vmem>>
    %dma_start3A_409 = tpu.memref_squeeze %dma_start3A_408 : memref<1x128x256xf32, #tpu.memory_space<vmem>> -> memref<128x256xf32, #tpu.memory_space<vmem>>
    tpu.enqueue_dma source(%dma_start3A_409 : memref<128x256xf32, #tpu.memory_space<vmem>>) target(%dma_start3A_405 : memref<128x256xf32, #tpu.memory_space<hbm>>) target_semaphore(%arg10 : memref<!tpu.dma_semaphore, #tpu.memory_space<semaphore_mem>>)
    %add3A_410 = arith.constant 49 : i32
    %add3A_411 = arith.addi %mul3A_2, %add3A_410 : i32
    %jit3A_412 = arith.constant 13 : i32
    %div3A_413 = arith.divsi %add3A_411, %jit3A_412 : i32
    %sign3A_414 = arith.constant 0 : i32
    %sign3A_415 = arith.cmpi sgt, %add3A_411, %sign3A_414 : i32
    %sign3A_416 = arith.extui %sign3A_415 : i1 to i32
    %sign3A_417 = arith.constant 0 : i32
    %sign3A_418 = arith.cmpi slt, %add3A_411, %sign3A_417 : i32
    %sign3A_419 = arith.extui %sign3A_418 : i1 to i32
    %sign3A_420 = arith.subi %sign3A_416, %sign3A_419 : i32
    %sign3A_421 = arith.constant 0 : i32
    %sign3A_422 = arith.cmpi sgt, %jit3A_412, %sign3A_421 : i32
    %sign3A_423 = arith.extui %sign3A_422 : i1 to i32
    %sign3A_424 = arith.constant 0 : i32
    %sign3A_425 = arith.cmpi slt, %jit3A_412, %sign3A_424 : i32
    %sign3A_426 = arith.extui %sign3A_425 : i1 to i32
    %sign3A_427 = arith.subi %sign3A_423, %sign3A_426 : i32
    %ne3A_428 = arith.cmpi ne, %sign3A_420, %sign3A_427 : i32
    %rem3A_429 = arith.remsi %add3A_411, %jit3A_412 : i32
    %ne3A_430 = arith.constant 0 : i32
    %ne3A_431 = arith.cmpi ne, %rem3A_429, %ne3A_430 : i32
    %and3A_432 = arith.andi %ne3A_428, %ne3A_431 : i1
    %sub3A_433 = arith.constant 1 : i32
    %sub3A_434 = arith.subi %div3A_413, %sub3A_433 : i32
    %select_n3A_435 = arith.select %and3A_432, %sub3A_434, %div3A_413 : i32
    %mul3A_436 = arith.constant 13 : i32
    %mul3A_437 = arith.muli %select_n3A_435, %mul3A_436 : i32
    %sub3A_438 = arith.subi %add3A_411, %mul3A_437 : i32
    %mul3A_439 = arith.constant 2 : i32
    %mul3A_440 = arith.muli %sub3A_438, %mul3A_439 : i32
    %mul3A_441 = arith.constant 128 : i32
    %mul3A_442 = arith.muli %select_n3A_435, %mul3A_441 : i32
    %mul3A_443 = arith.constant 128 : i32
    %mul3A_444 = arith.muli %mul3A_440, %mul3A_443 : i32
    %dma_wait3A_445 = arith.constant 1 : i32
    %dma_wait3A_446 = arith.constant 0 : i32
    %dma_wait3A_447 = arith.constant 0 : i32
    %dma_wait3A_448 = tpu.memref_slice %arg6[%dma_wait3A_445, %dma_wait3A_446, %dma_wait3A_447] : memref<3x128x256xf32, #tpu.memory_space<vmem>> -> memref<1x128x256xf32, #tpu.memory_space<vmem>>
    %dma_wait3A_449 = tpu.memref_squeeze %dma_wait3A_448 : memref<1x128x256xf32, #tpu.memory_space<vmem>> -> memref<128x256xf32, #tpu.memory_space<vmem>>
    %dma_wait3A_450 = tpu.memref_slice %arg4[%mul3A_442, %mul3A_444] : memref<16384x3328xf32, #tpu.memory_space<hbm>> -> memref<128x256xf32, #tpu.memory_space<hbm>>
    %dma_wait3A_451 = tpu.memref_slice %arg4[%mul3A_442, %mul3A_444] : memref<16384x3328xf32, #tpu.memory_space<hbm>> -> memref<128x256xf32, #tpu.memory_space<hbm>>
    %dma_wait3A_452 = arith.constant 0 : i32
    %dma_wait3A_453 = arith.constant 0 : i32
    %dma_wait3A_454 = tpu.memref_slice %arg6[%dma_wait3A_445, %dma_wait3A_452, %dma_wait3A_453] : memref<3x128x256xf32, #tpu.memory_space<vmem>> -> memref<1x128x256xf32, #tpu.memory_space<vmem>>
    %dma_wait3A_455 = tpu.memref_squeeze %dma_wait3A_454 : memref<1x128x256xf32, #tpu.memory_space<vmem>> -> memref<128x256xf32, #tpu.memory_space<vmem>>
    tpu.wait_dma2 semaphore(%arg11 : memref<!tpu.dma_semaphore, #tpu.memory_space<semaphore_mem>>) src(%dma_wait3A_455 : memref<128x256xf32, #tpu.memory_space<vmem>>) dst(%dma_wait3A_451 : memref<128x256xf32, #tpu.memory_space<hbm>>)
    %add3A_456 = arith.constant 50 : i32
    %add3A_457 = arith.addi %mul3A_2, %add3A_456 : i32
    %jit3A_458 = arith.constant 13 : i32
    %div3A_459 = arith.divsi %add3A_457, %jit3A_458 : i32
    %sign3A_460 = arith.constant 0 : i32
    %sign3A_461 = arith.cmpi sgt, %add3A_457, %sign3A_460 : i32
    %sign3A_462 = arith.extui %sign3A_461 : i1 to i32
    %sign3A_463 = arith.constant 0 : i32
    %sign3A_464 = arith.cmpi slt, %add3A_457, %sign3A_463 : i32
    %sign3A_465 = arith.extui %sign3A_464 : i1 to i32
    %sign3A_466 = arith.subi %sign3A_462, %sign3A_465 : i32
    %sign3A_467 = arith.constant 0 : i32
    %sign3A_468 = arith.cmpi sgt, %jit3A_458, %sign3A_467 : i32
    %sign3A_469 = arith.extui %sign3A_468 : i1 to i32
    %sign3A_470 = arith.constant 0 : i32
    %sign3A_471 = arith.cmpi slt, %jit3A_458, %sign3A_470 : i32
    %sign3A_472 = arith.extui %sign3A_471 : i1 to i32
    %sign3A_473 = arith.subi %sign3A_469, %sign3A_472 : i32
    %ne3A_474 = arith.cmpi ne, %sign3A_466, %sign3A_473 : i32
    %rem3A_475 = arith.remsi %add3A_457, %jit3A_458 : i32
    %ne3A_476 = arith.constant 0 : i32
    %ne3A_477 = arith.cmpi ne, %rem3A_475, %ne3A_476 : i32
    %and3A_478 = arith.andi %ne3A_474, %ne3A_477 : i1
    %sub3A_479 = arith.constant 1 : i32
    %sub3A_480 = arith.subi %div3A_459, %sub3A_479 : i32
    %select_n3A_481 = arith.select %and3A_478, %sub3A_480, %div3A_459 : i32
    %mul3A_482 = arith.constant 13 : i32
    %mul3A_483 = arith.muli %select_n3A_481, %mul3A_482 : i32
    %sub3A_484 = arith.subi %add3A_457, %mul3A_483 : i32
    %mul3A_485 = arith.constant 2 : i32
    %mul3A_486 = arith.muli %sub3A_484, %mul3A_485 : i32
    %mul3A_487 = arith.constant 128 : i32
    %mul3A_488 = arith.muli %select_n3A_481, %mul3A_487 : i32
    %mul3A_489 = arith.constant 128 : i32
    %mul3A_490 = arith.muli %mul3A_486, %mul3A_489 : i32
    %dma_wait3A_491 = arith.constant 2 : i32
    %dma_wait3A_492 = arith.constant 0 : i32
    %dma_wait3A_493 = arith.constant 0 : i32
    %dma_wait3A_494 = tpu.memref_slice %arg6[%dma_wait3A_491, %dma_wait3A_492, %dma_wait3A_493] : memref<3x128x256xf32, #tpu.memory_space<vmem>> -> memref<1x128x256xf32, #tpu.memory_space<vmem>>
    %dma_wait3A_495 = tpu.memref_squeeze %dma_wait3A_494 : memref<1x128x256xf32, #tpu.memory_space<vmem>> -> memref<128x256xf32, #tpu.memory_space<vmem>>
    %dma_wait3A_496 = tpu.memref_slice %arg4[%mul3A_488, %mul3A_490] : memref<16384x3328xf32, #tpu.memory_space<hbm>> -> memref<128x256xf32, #tpu.memory_space<hbm>>
    %dma_wait3A_497 = tpu.memref_slice %arg4[%mul3A_488, %mul3A_490] : memref<16384x3328xf32, #tpu.memory_space<hbm>> -> memref<128x256xf32, #tpu.memory_space<hbm>>
    %dma_wait3A_498 = arith.constant 0 : i32
    %dma_wait3A_499 = arith.constant 0 : i32
    %dma_wait3A_500 = tpu.memref_slice %arg6[%dma_wait3A_491, %dma_wait3A_498, %dma_wait3A_499] : memref<3x128x256xf32, #tpu.memory_space<vmem>> -> memref<1x128x256xf32, #tpu.memory_space<vmem>>
    %dma_wait3A_501 = tpu.memref_squeeze %dma_wait3A_500 : memref<1x128x256xf32, #tpu.memory_space<vmem>> -> memref<128x256xf32, #tpu.memory_space<vmem>>
    tpu.wait_dma2 semaphore(%arg12 : memref<!tpu.dma_semaphore, #tpu.memory_space<semaphore_mem>>) src(%dma_wait3A_501 : memref<128x256xf32, #tpu.memory_space<vmem>>) dst(%dma_wait3A_497 : memref<128x256xf32, #tpu.memory_space<hbm>>)
    %add3A_502 = arith.constant 51 : i32
    %add3A_503 = arith.addi %mul3A_2, %add3A_502 : i32
    %jit3A_504 = arith.constant 13 : i32
    %div3A_505 = arith.divsi %add3A_503, %jit3A_504 : i32
    %sign3A_506 = arith.constant 0 : i32
    %sign3A_507 = arith.cmpi sgt, %add3A_503, %sign3A_506 : i32
    %sign3A_508 = arith.extui %sign3A_507 : i1 to i32
    %sign3A_509 = arith.constant 0 : i32
    %sign3A_510 = arith.cmpi slt, %add3A_503, %sign3A_509 : i32
    %sign3A_511 = arith.extui %sign3A_510 : i1 to i32
    %sign3A_512 = arith.subi %sign3A_508, %sign3A_511 : i32
    %sign3A_513 = arith.constant 0 : i32
    %sign3A_514 = arith.cmpi sgt, %jit3A_504, %sign3A_513 : i32
    %sign3A_515 = arith.extui %sign3A_514 : i1 to i32
    %sign3A_516 = arith.constant 0 : i32
    %sign3A_517 = arith.cmpi slt, %jit3A_504, %sign3A_516 : i32
    %sign3A_518 = arith.extui %sign3A_517 : i1 to i32
    %sign3A_519 = arith.subi %sign3A_515, %sign3A_518 : i32
    %ne3A_520 = arith.cmpi ne, %sign3A_512, %sign3A_519 : i32
    %rem3A_521 = arith.remsi %add3A_503, %jit3A_504 : i32
    %ne3A_522 = arith.constant 0 : i32
    %ne3A_523 = arith.cmpi ne, %rem3A_521, %ne3A_522 : i32
    %and3A_524 = arith.andi %ne3A_520, %ne3A_523 : i1
    %sub3A_525 = arith.constant 1 : i32
    %sub3A_526 = arith.subi %div3A_505, %sub3A_525 : i32
    %select_n3A_527 = arith.select %and3A_524, %sub3A_526, %div3A_505 : i32
    %mul3A_528 = arith.constant 13 : i32
    %mul3A_529 = arith.muli %select_n3A_527, %mul3A_528 : i32
    %sub3A_530 = arith.subi %add3A_503, %mul3A_529 : i32
    %mul3A_531 = arith.constant 2 : i32
    %mul3A_532 = arith.muli %sub3A_530, %mul3A_531 : i32
    %mul3A_533 = arith.constant 128 : i32
    %mul3A_534 = arith.muli %select_n3A_527, %mul3A_533 : i32
    %mul3A_535 = arith.constant 128 : i32
    %mul3A_536 = arith.muli %mul3A_532, %mul3A_535 : i32
    %dma_wait3A_537 = arith.constant 0 : i32
    %dma_wait3A_538 = arith.constant 0 : i32
    %dma_wait3A_539 = arith.constant 0 : i32
    %dma_wait3A_540 = tpu.memref_slice %arg6[%dma_wait3A_537, %dma_wait3A_538, %dma_wait3A_539] : memref<3x128x256xf32, #tpu.memory_space<vmem>> -> memref<1x128x256xf32, #tpu.memory_space<vmem>>
    %dma_wait3A_541 = tpu.memref_squeeze %dma_wait3A_540 : memref<1x128x256xf32, #tpu.memory_space<vmem>> -> memref<128x256xf32, #tpu.memory_space<vmem>>
    %dma_wait3A_542 = tpu.memref_slice %arg4[%mul3A_534, %mul3A_536] : memref<16384x3328xf32, #tpu.memory_space<hbm>> -> memref<128x256xf32, #tpu.memory_space<hbm>>
    %dma_wait3A_543 = tpu.memref_slice %arg4[%mul3A_534, %mul3A_536] : memref<16384x3328xf32, #tpu.memory_space<hbm>> -> memref<128x256xf32, #tpu.memory_space<hbm>>
    %dma_wait3A_544 = arith.constant 0 : i32
    %dma_wait3A_545 = arith.constant 0 : i32
    %dma_wait3A_546 = tpu.memref_slice %arg6[%dma_wait3A_537, %dma_wait3A_544, %dma_wait3A_545] : memref<3x128x256xf32, #tpu.memory_space<vmem>> -> memref<1x128x256xf32, #tpu.memory_space<vmem>>
    %dma_wait3A_547 = tpu.memref_squeeze %dma_wait3A_546 : memref<1x128x256xf32, #tpu.memory_space<vmem>> -> memref<128x256xf32, #tpu.memory_space<vmem>>
    tpu.wait_dma2 semaphore(%arg10 : memref<!tpu.dma_semaphore, #tpu.memory_space<semaphore_mem>>) src(%dma_wait3A_547 : memref<128x256xf32, #tpu.memory_space<vmem>>) dst(%dma_wait3A_543 : memref<128x256xf32, #tpu.memory_space<hbm>>)
    return
  }
}

</mosaic_0001>

<sc_bundles>
// kernel: kernel.3.cloned.1.call-start
scs
__scs_entry_jumppad:
0x0: {  	(pc) =	sbr.rel $0x88, $3  }
0x1: {  	(tag) =	ssettag $0x0;
	lr =	simm.s32 $0x1  }
0x2: {  	[smem:$0x3F9F] =	sst lr;
	_ =	strace $0xD0000000  }
0x3: {  	_ = 	snop  }
0x4: {  	_ = 	snop  }
0x5: {  	_ = 	snop  }
0x6: {  	_ = 	snop  }
0x7: {  	_ = 	snop  }
__scs_overlays_trampoline_lowered:
0x8: {  	[smem:$0x3FAE] =	sst s0  }
0x9: {  	[smem:$0x3FAF] =	sst s1  }
0xa: {  	[smem:$0x3FB0] =	sst s2  }
0xb: {  	[smem:$0x3FB1] =	sst s3  }
0xc: {  	[smem:$0x3FB2] =	sst s4  }
0xd: {  	[smem:$0x3FB3] =	sst s5  }
0xe: {  	[smem:$0x3FB4] =	sst s6  }
0xf: {  	[smem:$0x3FB5] =	sst s7  }
0x10: {  	[smem:$0x3FB6] =	sst s8  }
0x11: {  	[smem:$0x3FB7] =	sst s9;
	s0 =	simm.s32 @!p0 $0x0  }
0x12: {  	s1 =	sld [smem:$0x3F9D];
	s0 =	simm.s32 @p0 $0x1  }
0x13: {  	[smem:$0x3FB8] =	sst s0;
	s0 =	simm.s32 @!p1 $0x0  }
0x14: {  	s2 =	sld [smem:$0x3F9C];
	s0 =	simm.s32 @p1 $0x1  }
0x15: {  	[smem:$0x3FB9] =	sst s0;
	s0 =	simm.s32 @!p2 $0x0  }
0x16: {  	s3 =	sld [smem:$0x3FDB];
	s0 =	simm.s32 @p2 $0x1  }
0x17: {  	s4 =	simm.s32 $0x1BF5;
	[smem:$0x3FBB] =	sst s0  }
0x18: {  	s0 =	sld [smem:$0x3F9E];
	_ =	swait.ge [sflag:s4], $0x0  }
0x19: {  	s7 =	sld [smem:$0x3F9F]  }
0x1a: {  	s8 =	sadd.s32 $0xFFFFE003, lr  }
0x1b: {  	s9 =	sadd.s32 $0xFFFFFEF7, lr;
	s5 =	simm.s32 $0xFFFFFFFF;
	p2 =	slt.u32 s8, $0xFFFFF086  }
0x1c: {  	p1 =	slt.u32 s9, $0xF7A;
	s5 =	simm.s32 @!p2 $0x0  }
0x1d: {  	s5 =	simm.s32 @p1 $0x1;
	p0 =	seq.s32 s7, s2  }
0x1e: {  	s7 =	smul.u32 @!p0 $0xF7A, s2;
	p2 =	seq.s32 @!p0 s5, $0x0  }
0x1f: {  	s9 =	smul.u32 $0xF7A, s1;
	s8 =	simm.s32 @!p0 $0x1BF5;
	p2 =	por !p2, p0  }
0x20: {  	[sflag:s8] =	ssyncset.s32 @!p0 $0xFFFFF086;
	s6 =	sadd.s32 @!p0 s3, s7;
	s7 =	simm.s32 @!p0 $0x108  }
0x21: {  	s3 =	sadd.s32 s3, s9;
	s6 =	sadd.s32 @!p0 $0x88, s6;
	s7 =	simm.s32 @p2 $0x1082  }
0x22: {  	[simem:s7], [sflag:s8] =	dma.local @!p0 [hbm:s6], $0xF7A  }
0x23: {  	s9 =	sor.u32 $0xD0000000, s2;
	s6 =	simm.s32 $0x108;
	_ =	swait.ge @!p0 [sflag:s8], $0x0  }
0x24: {  	s3 =	sadd.s32 $0x88, s3;
	s6 =	simm.s32 @!p1 $0x1082;
	[sflag:s4] =	ssyncset.s32 $0xFFFFF086  }
0x25: {  	[simem:s6], [sflag:s4] =	dma.local [hbm:s3], $0xF7A  }
0x26: {  	[smem:$0x3F9F] =	sst s1;
	(tag) =	ssettag s2;
	_ =	strace s9  }
0x27: {  	s1 =	sld [smem:$0x3FAF]  }
0x28: {  	s2 =	sld [smem:$0x3FB0]  }
0x29: {  	s4 =	sld [smem:$0x3FB2]  }
0x2a: {  	p0 =	seq.s32 s5, $0x0;
	s5 =	sld [smem:$0x3FB3]  }
0x2b: {  	s6 =	sld [smem:$0x3FB4]  }
0x2c: {  	s7 =	sld [smem:$0x3FB5]  }
0x2d: {  	s3 =	simm.s32 $0x108;
	s8 =	sld [smem:$0x3FB6]  }
0x2e: {  	s3 =	simm.s32 @!p0 $0x1082;
	s9 =	sld [smem:$0x3FB7]  }
0x2f: {  	lr =	sadd.s32 s0, s3;
	s0 =	sld [smem:$0x3FAE]  }
0x30: {  	s3 =	sld [smem:$0x3FB1]  }
0x31: {  	[smem:$0x3FBA] =	sst s10  }
0x32: {  	s10 =	sld [smem:$0x3FB8];
	_ =	sdelay $0x3  }
0x33: {  	p0 =	seq.s32 s10, $0x1;
	s10 =	sld [smem:$0x3FBA];
	_ =	sdelay $0x3  }
0x34: {  	[smem:$0x3FBA] =	sst s10  }
0x35: {  	s10 =	sld [smem:$0x3FB9];
	_ =	sdelay $0x3  }
0x36: {  	p1 =	seq.s32 s10, $0x1;
	s10 =	sld [smem:$0x3FBA];
	_ =	sdelay $0x3  }
0x37: {  	[smem:$0x3FBA] =	sst s10  }
0x38: {  	s10 =	sld [smem:$0x3FBB]  }
0x39: {  	_ = 	snop;
	(pc) =	sbr.ind lr, $3  }
0x3a: {  	_ = 	snop  }
0x3b: {  	_ = 	snop  }
0x3c: {  	p2 =	seq.s32 s10, $0x1;
	s10 =	sld [smem:$0x3FBA]  }
0x3d: {  	_ =	shalt  }
0x3e: {  	_ =	shalt  }
0x3f: {  	_ =	shalt  }
0x40: {  	_ =	shalt  }
0x41: {  	_ =	shalt  }
0x42: {  	_ =	shalt  }
0x43: {  	_ =	shalt  }
0x44: {  	_ =	shalt  }
0x45: {  	_ =	shalt  }
0x46: {  	_ =	shalt  }
0x47: {  	_ =	shalt  }
0x48: {  	_ =	shalt  }
0x49: {  	_ =	shalt  }
0x4a: {  	_ =	shalt  }
0x4b: {  	_ =	shalt  }
0x4c: {  	_ =	shalt  }
0x4d: {  	_ =	shalt  }
0x4e: {  	_ =	shalt  }
0x4f: {  	_ =	shalt  }
0x50: {  	_ =	shalt  }
0x51: {  	_ =	shalt  }
0x52: {  	_ =	shalt  }
0x53: {  	_ =	shalt  }
0x54: {  	_ =	shalt  }
0x55: {  	_ =	shalt  }
0x56: {  	_ =	shalt  }
0x57: {  	_ =	shalt  }
0x58: {  	_ =	shalt  }
0x59: {  	_ =	shalt  }
0x5a: {  	_ =	shalt  }
0x5b: {  	_ =	shalt  }
0x5c: {  	_ =	shalt  }
0x5d: {  	_ =	shalt  }
0x5e: {  	_ =	shalt  }
0x5f: {  	_ =	shalt  }
0x60: {  	_ =	shalt  }
0x61: {  	_ =	shalt  }
0x62: {  	_ =	shalt  }
0x63: {  	_ =	shalt  }
0x64: {  	_ =	shalt  }
0x65: {  	_ =	shalt  }
0x66: {  	_ =	shalt  }
0x67: {  	_ =	shalt  }
0x68: {  	_ =	shalt  }
0x69: {  	_ =	shalt  }
0x6a: {  	_ =	shalt  }
0x6b: {  	_ =	shalt  }
0x6c: {  	_ =	shalt  }
0x6d: {  	_ =	shalt  }
0x6e: {  	_ =	shalt  }
0x6f: {  	_ =	shalt  }
0x70: {  	_ =	shalt  }
0x71: {  	_ =	shalt  }
0x72: {  	_ =	shalt  }
0x73: {  	_ =	shalt  }
0x74: {  	_ =	shalt  }
0x75: {  	_ =	shalt  }
0x76: {  	_ =	shalt  }
0x77: {  	_ =	shalt  }
0x78: {  	_ =	shalt  }
0x79: {  	_ =	shalt  }
0x7a: {  	_ =	shalt  }
0x7b: {  	_ =	shalt  }
0x7c: {  	_ =	shalt  }
0x7d: {  	_ =	shalt  }
0x7e: {  	_ =	shalt  }
0x7f: {  	_ =	shalt  }
0x80: {  	_ =	shalt  }
0x81: {  	_ =	shalt  }
0x82: {  	_ =	shalt  }
0x83: {  	_ =	shalt  }
0x84: {  	_ =	shalt  }
0x85: {  	_ =	shalt  }
0x86: {  	_ =	shalt  }
0x87: {  	_ =	shalt  }
.Lfunc_end0:
.L_simem_size_0:
called_computation_lowered:
.L_overlay_start_0:
0x88: {  	s2 =	sld [smem:$0x3FD9]  }
0x89: {  	s3 =	sld [smem:$0x3FFE];
	_ =	sdelay $0x1  }
0x8a: {  	s1 =	srdreg.scid  }
0x8b: {  	s0 =	sand.u32 $0x1, s1  }
0x8c: {  	s17 =	sshll.u32 s0, $0xA;
	s2 =	sadd.s32 s3, s2  }
0x8d: {  	s2 =	sadd.s32 s2, s17  }
0x8e: {  	[smem:$0x3FC6] =	sst s2  }
0x8f: {  	_ = 	snop  }
0x90: {  	s2 =	sld [smem:$0x3FC8]  }
0x91: {  	s18 =	sld [smem:$0x3FD0];
	(tm) =	ssettm $0x1  }
0x92: {  	s4 =	sld [smem:$0x3FFB];
	_ =	sdelay $0x3  }
0x93: {  	_ =	strace s4  }
0x94: {  	s4 =	sld [smem:$0x3FFC];
	_ =	sdelay $0x3  }
0x95: {  	_ =	strace s4  }
0x96: {  	s4 =	sld [smem:$0x3FFD];
	_ =	sdelay $0x3  }
0x97: {  	_ =	strace s4  }
0x98: {  	_ =	strace $0x8FFFFFFF  }
0x99: {  	s19 =	sld [smem:$0x3FDB];
	_ =	sdelay $0x1  }
0x9a: {  	s5 =	simm.s32 $_scs_section_size  }
0x9b: {  	s6 =	simm.s32 $_size__tile_overlayer_lowered;
	s7 =	simm.s32 $_tile_overlayer_lowered  }
0x9c: {  	s22 =	simm.s32 $0x1BFF;
	s21 =	sshll.u32 s7, $0x1;
	s4 =	sadd.s32 s5, s19  }
0x9d: {  	s8 =	simm.s32 $0x0;
	s20 =	sshll.u32 s6, $0x1;
	s6 =	sadd.s32 s21, s4  }
0x9e: {  	[timem:s8], [sflag:s22] =	dma.local [hbm:s6], s20  }
0x9f: {  	_ =	swait.ge [sflag:s22], s20  }
0xa0: {  	s5 =	ssub.s32 $0x0, s20;
	[sflag:s22] =	ssyncset.done $0x0  }
0xa1: {  	[sflag:s22] =	ssyncadd.s32 s5;
	_ =	sdelay $0x1  }
0xa2: {  	s23 =	simm.s32 $0x1B8B  }
0xa3: {  	_ =	swait.ge [sflag:s23], $0x1  }
0xa4: {  	[sflag:s23] =	ssyncset.done $0x0  }
0xa5: {  	s25 =	simm.s32 $0x1B8E;
	s24 =	sld [smem:$0x3FFE];
	[sflag:s23] =	ssyncadd.s32 $0xFFFFFFFF  }
0xa6: {  	s26 =	simm.s32 $execute0_lowered;
	[smem:$0x3FD2] =	sst s25  }
0xa7: {  	s6 =	sshll.u32 s26, $0x1;
	_ =	strace $0x80000046;
	[dreg:$0x1] =	wrdreg $0xFFFFFFFF  }
0xa8: {  	s28 =	simm.s32 $_size_execute0_lowered;
	s4 =	sadd.s32 s4, s6;
	[dreg:$0x0] =	wrdreg $0x0  }
0xa9: {  	s6 =	sshll.u32 s28, $0x1;
	[dreg:$0x2] =	wrdreg s4  }
0xaa: {  	[dreg:$0x3] =	wrdreg s6  }
0xab: {  	[dreg:$0x4] =	wrdreg $0xC0  }
0xac: {  	_ =	task [dreg:s8], $0x5FFFF  }
0xad: {  	[dreg:$0x1] =	wrdreg $0xFFFFFFFF  }
0xae: {  	[dreg:$0x0] =	wrdreg $0x60  }
0xaf: {  	[dreg:$0x2] =	wrdreg s24  }
0xb0: {  	[dreg:$0x3] =	wrdreg s2  }
0xb1: {  	[dreg:$0x4] =	wrdreg s18  }
0xb2: {  	[dreg:$0x5] =	wrdreg $0x9  }
0xb3: {  	_ =	task.clear_ibuf [dreg:s8], $0x6FFFF;
	_ =	strace $0x90000046  }
0xb4: {  	s29 =	simm.s32 $0x9;
	_ =	strace $0x80000048  }
0xb5: {  	_ =	swait.ge [sflag:s29], $0x1  }
0xb6: {  	[sflag:s29] =	ssyncadd.s32 $0xFFFFFFFF  }
0xb7: {  	_ =	strace $0x90000048  }
0xb8: {  	_ =	sfence  }
0xb9: {  	s30 =	sld [smem:$0x0];
	_ =	sdelay $0x2  }
0xba: {  	s31 =	sshll.u32 s1, $0xD;
	s1 =	sshrl.u32 s1, $0x2  }
0xbb: {  	s3 =	sand.u32 $0x4000, s31;
	s1 =	sadd.s32 s1, s30  }
0xbc: {  	s0 =	sor.u32 s3, s0;
	s1 =	sshll.u32 s1, $0x11  }
0xbd: {  	s0 =	sor.u32 s1, s0  }
0xbe: {  	s0 =	sadd.s32 $0x8F2B, s0  }
0xbf: {  	[sflag:s0] =	ssyncadd.remote.s32 $0x1  }
0xc0: {  	_ =	sfence.sel $0xFFFF  }
0xc1: {  	[dreg:$0x0] =	wrdreg $0xFFFFFFFF;
	(pc) =	sbr.abs _section_cstart, $3  }
0xc2: {  	[dreg:$0x1] =	wrdreg $0xFFFFFFFF  }
0xc3: {  	_ =	task.clear_ibuf [dreg:s8], $0x2FFFF;
	_ =	strace $0x9FFFFFFF  }
0xc4: {  	(tm) =	ssettm $0x7FFFFFFF  }
0xc5: {  	_ =	shalt  }
tec
execute0_lowered:
.L_overlay_start_1:
0x0: {  	(tag) =	ssettag $0x1  }
0x1: {  	s0 =	srdreg.scid;
	s1 =	rddreg [dreg:$0x0]  }
0x2: {  	s14 =	stileid.u32;
	s2 =	rddreg [dreg:$0x1];
	s4 =	simm.s32 $0x0  }
0x3: {  	s0 =	sand.u32 $0x1, s0;
	s3 =	sshll.u32 s14, $0x1;
	s20 =	smul.u32 $0x68, s14  }
0x4: {  	s5 =	sor.u32 s0, s3;
	s11 =	ssub.s32 $0x2, s0;
	s0 =	smul.u32 $0x34, s0  }
0x5: {  	s28 =	simm.s32 $0x12400;
	s29 =	simm.s32 $0x12C00;
	s6 =	smul.u32 $0x34, s5  }
0x6: {  	s31 =	simm.s32 $0xC000;
	[smem:$0x7FF] =	sst s4;
	s7 =	smul.u32 $0x680, s5  }
0x7: {  	s14 =	simm.s32 $0xF400;
	s3 =	rddreg [dreg:$0x2];
	s10 =	smul.u32 $0x34000, s5  }
0x8: {  	_ =	strace $0x80000047;
	s5 =	smul.u32 $0x40028, s5;
	s26 =	sshrl.u32 s11, $0x1  }
0x9: {  	s0 =	sadd.s32 s0, s20;
	s20 =	simm.s32 $0x3;
	s8 =	sor.u32 $0x1, s6  }
0xa: {  	s1 =	sadd.s32 s7, s1;
	s5 =	sadd.s32 $0x3D8C4, s5;
	s13 =	sadd.s32 $0x33, s6  }
0xb: {  	s7 =	ssub.s32 s11, s26;
	s10 =	sadd.s32 s3, s10;
	s24 =	sor.u32 $0x3, s0  }
0xc: {  	s25 =	sadd.s32 $0x4, s0;
	s0 =	sor.u32 $0x2, s0;
	s11 =	simm.s32 $0x13400  }
0xd: {  	s9 =	smul.u32 $0x13B2, s8;
	s5 =	sshrl.u32 s5, $0x10;
	[dreg:$0x5] =	wrdreg s10  }
0xe: {  	s30 =	smul.u32 $0x13B2, s13;
	s1 =	sadd.s32 $0x400, s1;
	[dreg:$0xa] =	wrdreg s24  }
0xf: {  	s23 =	smax.u32 s7, $0x1;
	[dreg:$0xb] =	wrdreg s25;
	s26 =	sshll.u32 s25, $0xB  }
0x10: {  	[dreg:$0xc] =	wrdreg s0;
	s0 =	sshll.u32 s0, $0xB;
	s25 =	simm.s32 $0xB400  }
0x11: {  	s10 =	simm.s32 $0xCC00;
	[dreg:$0x4] =	wrdreg s1;
	s16 =	smul.u32 $0x1FFFF3, s5  }
0x12: {  	s5 =	smul.u32 $0x68000, s5;
	[dreg:$0x9] =	wrdreg s23;
	s9 =	sshrl.u32 s9, $0x10  }
0x13: {  	s7 =	simm.s32 $0xDC00;
	[dreg:$0xe] =	wrdreg s26;
	s12 =	smul.u32 $0x68000, s9  }
0x14: {  	[dreg:$0xf] =	wrdreg s0;
	s17 =	sshrl.u32 s30, $0x10;
	s9 =	smul.u32 $0x1FFFF3, s9  }
0x15: {  	s23 =	simm.s32 $0x1;
	s26 =	simm.s32 $0x11C00;
	s18 =	smul.u32 $0x1FFFF3, s17  }
0x16: {  	s30 =	simm.s32 $0x0;
	s6 =	sadd.s32 s16, s6;
	s19 =	smul.u32 $0x68000, s17  }
0x17: {  	s17 =	simm.s32 $0xFC00;
	s16 =	simm.s32 $0x10400;
	s6 =	sshll.u32 s6, $0xB  }
0x18: {  	[dreg:$0x10] =	wrdreg s30;
	s15 =	sadd.s32 s8, s9;
	s5 =	sadd.s32 s5, s6  }
0x19: {  	s8 =	sadd.s32 s13, s18;
	s9 =	simm.s32 $0xC400;
	s18 =	simm.s32 $0xD400  }
0x1a: {  	s13 =	simm.s32 $0xEC00;
	s1 =	sshll.u32 s15, $0xB;
	s5 =	sadd.s32 $0x19000, s5  }
0x1b: {  	s8 =	sshll.u32 s8, $0xB;
	s15 =	simm.s32 $0x6800;
	s1 =	sadd.s32 s1, s12  }
0x1c: {  	s5 =	sshrl.u32 s5, $0x3;
	s6 =	sadd.s32 s8, s19;
	s12 =	simm.s32 $0xE400  }
0x1d: {  	s19 =	simm.s32 $0x10C00;
	s8 =	simm.s32 $0x4;
	s1 =	sshrl.u32 s1, $0x3  }
0x1e: {  	s21 =	sadd.s32 s3, s5;
	s22 =	sshrl.u32 s6, $0x3;
	s6 =	simm.s32 $0xBC00  }
0x1f: {  	s5 =	simm.s32 $0x2;
	s1 =	sadd.s32 s3, s1;
	[dreg:$0x7] =	wrdreg s21  }
0x20: {  	v2 =	vlaneseq.u32;
	s21 =	simm.s32 $0x5;
	[dreg:$0x6] =	wrdreg s1;
	s1 =	sadd.s32 s3, s22  }
0x21: {  	vm0 =	vmmov $0xff;
	v1 =	vshrl.u32 v2, $0x3;
	s22 =	simm.s32 $0x11400;
	[dreg:$0x8] =	wrdreg s1;
	s1 =	sshll.u32 s24, $0xB  }
0x22: {  	v0 =	vand.u32 $0x7, v2;
	v2 =	vor.u32 $0x8, v2;
	v1 =	vmul.u32 $0x8, v1;
	s24 =	simm.s32 $0x800;
	[dreg:$0xd] =	wrdreg s1;
	s1 =	simm.s32 $0x6  }
.LBB2_1:
0x23: {  	s0 =	rddreg [dreg:$0x4]  }
0x24: {  	[tilespmem:s4], [sflag:$0x7] =	stream.linear.gather [hbm4b:s0+s4], $0x3400, $0x38;
	[tilespmem:$0x1B400] =	vst v63  }
0x25: {  	s0 =	simm.s32 $0x7  }
0x26: {  	_ =	swait.ge [sflag:s0], $0x3400  }
0x27: {  	[sflag:s0] =	ssyncset.done $0x0  }
0x28: {  	[sflag:s0] =	ssyncadd.s32 $0xFFFFCC00  }
0x29: {  	v3 =	vld [tilespmem:$0x0];
	_ =	sdelay $0x4  }
0x2a: {  	v4 =	vperm.xlane v3, v0;
	_ =	sdelay $0x1  }
0x2b: {  	v3 =	vperm.xlane v3, v2;
	v4 =	vadd.s32 v1, v4;
	_ =	sdelay $0x1  }
0x2c: {  	v3 =	vadd.s32 v1, v3;
	_ =	sdelay $0x1  }
0x2d: {  	s0 =	simm.s32 $0x3400  }
0x2e: {  	[tilespmem:s0], [sflag:$0x1] =	stream.indirect_vreg.gather [hbm4b:s2+s4], $0x80, v4, vm0, $0xb8;
	[tilespmem:$0x1B400] =	vst v63  }
0x2f: {  	s0 =	simm.s32 $0x3C00  }
0x30: {  	[tilespmem:s0], [sflag:$0x1] =	stream.indirect_vreg.gather [hbm4b:s2+s4], $0x80, v3, vm0, $0xb8;
	[tilespmem:$0x1B400] =	vst v63  }
0x31: {  	v3 =	vld [tilespmem:$0x10];
	_ =	sdelay $0x4  }
0x32: {  	v17 =	vperm.xlane v3, v0;
	_ =	sdelay $0x1  }
0x33: {  	v3 =	vperm.xlane v3, v2;
	v4 =	vadd.s32 v1, v17;
	_ =	sdelay $0x1  }
0x34: {  	v3 =	vadd.s32 v1, v3;
	_ =	sdelay $0x1  }
0x35: {  	s0 =	simm.s32 $0x4400  }
0x36: {  	[tilespmem:s0], [sflag:$0x1] =	stream.indirect_vreg.gather [hbm4b:s2+s4], $0x80, v4, vm0, $0xb8;
	[tilespmem:$0x1B400] =	vst v63  }
0x37: {  	s0 =	simm.s32 $0x4C00  }
0x38: {  	[tilespmem:s0], [sflag:$0x1] =	stream.indirect_vreg.gather [hbm4b:s2+s4], $0x80, v3, vm0, $0xb8;
	[tilespmem:$0x1B400] =	vst v63  }
0x39: {  	v3 =	vld [tilespmem:$0x20];
	_ =	sdelay $0x4  }
0x3a: {  	v18 =	vperm.xlane v3, v0;
	_ =	sdelay $0x1  }
0x3b: {  	v3 =	vperm.xlane v3, v2;
	v4 =	vadd.s32 v1, v18;
	_ =	sdelay $0x1  }
0x3c: {  	v3 =	vadd.s32 v1, v3;
	_ =	sdelay $0x1  }
0x3d: {  	s0 =	simm.s32 $0x5400  }
0x3e: {  	[tilespmem:s0], [sflag:$0x1] =	stream.indirect_vreg.gather [hbm4b:s2+s4], $0x80, v4, vm0, $0xb8;
	[tilespmem:$0x1B400] =	vst v63  }
0x3f: {  	s0 =	simm.s32 $0x5C00  }
0x40: {  	[tilespmem:s0], [sflag:$0x1] =	stream.indirect_vreg.gather [hbm4b:s2+s4], $0x80, v3, vm0, $0xb8;
	[tilespmem:$0x1B400] =	vst v63  }
0x41: {  	v3 =	vld [tilespmem:$0x30];
	_ =	sdelay $0x4  }
0x42: {  	v19 =	vperm.xlane v3, v0;
	_ =	sdelay $0x1  }
0x43: {  	v3 =	vperm.xlane v3, v2;
	v4 =	vadd.s32 v1, v19;
	_ =	sdelay $0x1  }
0x44: {  	v3 =	vadd.s32 v1, v3;
	_ =	sdelay $0x1  }
0x45: {  	s0 =	simm.s32 $0x6400  }
0x46: {  	[tilespmem:s0], [sflag:$0x1] =	stream.indirect_vreg.gather [hbm4b:s2+s4], $0x80, v4, vm0, $0xb8;
	[tilespmem:$0x1B400] =	vst v63  }
0x47: {  	s0 =	simm.s32 $0x6C00  }
0x48: {  	[tilespmem:s0], [sflag:$0x1] =	stream.indirect_vreg.gather [hbm4b:s2+s4], $0x80, v3, vm0, $0xb8;
	[tilespmem:$0x1B400] =	vst v63  }
0x49: {  	v3 =	vld [tilespmem:$0x40];
	_ =	sdelay $0x4  }
0x4a: {  	v20 =	vperm.xlane v3, v0;
	_ =	sdelay $0x1  }
0x4b: {  	v3 =	vperm.xlane v3, v2;
	v4 =	vadd.s32 v1, v20;
	_ =	sdelay $0x1  }
0x4c: {  	v3 =	vadd.s32 v1, v3;
	_ =	sdelay $0x1  }
0x4d: {  	s0 =	simm.s32 $0x7400  }
0x4e: {  	[tilespmem:s0], [sflag:$0x1] =	stream.indirect_vreg.gather [hbm4b:s2+s4], $0x80, v4, vm0, $0xb8;
	[tilespmem:$0x1B400] =	vst v63  }
0x4f: {  	s0 =	simm.s32 $0x7C00  }
0x50: {  	[tilespmem:s0], [sflag:$0x1] =	stream.indirect_vreg.gather [hbm4b:s2+s4], $0x80, v3, vm0, $0xb8;
	[tilespmem:$0x1B400] =	vst v63  }
0x51: {  	v3 =	vld [tilespmem:$0x50];
	_ =	sdelay $0x4  }
0x52: {  	v21 =	vperm.xlane v3, v0;
	_ =	sdelay $0x1  }
0x53: {  	v3 =	vperm.xlane v3, v2;
	v4 =	vadd.s32 v1, v21;
	_ =	sdelay $0x1  }
0x54: {  	v3 =	vadd.s32 v1, v3;
	_ =	sdelay $0x1  }
0x55: {  	s0 =	simm.s32 $0x8400  }
0x56: {  	[tilespmem:s0], [sflag:$0x1] =	stream.indirect_vreg.gather [hbm4b:s2+s4], $0x80, v4, vm0, $0xb8;
	[tilespmem:$0x1B400] =	vst v63  }
0x57: {  	s0 =	simm.s32 $0x8C00  }
0x58: {  	[tilespmem:s0], [sflag:$0x1] =	stream.indirect_vreg.gather [hbm4b:s2+s4], $0x80, v3, vm0, $0xb8;
	[tilespmem:$0x1B400] =	vst v63  }
0x59: {  	v3 =	vld [tilespmem:$0x60];
	_ =	sdelay $0x4  }
0x5a: {  	v22 =	vperm.xlane v3, v0;
	_ =	sdelay $0x1  }
0x5b: {  	v3 =	vperm.xlane v3, v2;
	v4 =	vadd.s32 v1, v22;
	_ =	sdelay $0x1  }
0x5c: {  	v3 =	vadd.s32 v1, v3;
	_ =	sdelay $0x1  }
0x5d: {  	s0 =	simm.s32 $0x9400  }
0x5e: {  	[tilespmem:s0], [sflag:$0x1] =	stream.indirect_vreg.gather [hbm4b:s2+s4], $0x80, v4, vm0, $0xb8;
	[tilespmem:$0x1B400] =	vst v63  }
0x5f: {  	s0 =	simm.s32 $0x9C00  }
0x60: {  	[tilespmem:s0], [sflag:$0x1] =	stream.indirect_vreg.gather [hbm4b:s2+s4], $0x80, v3, vm0, $0xb8;
	[tilespmem:$0x1B400] =	vst v63  }
0x61: {  	v3 =	vld [tilespmem:$0x70];
	_ =	sdelay $0x4  }
0x62: {  	v23 =	vperm.xlane v3, v0;
	_ =	sdelay $0x1  }
0x63: {  	v3 =	vperm.xlane v3, v2;
	v4 =	vadd.s32 v1, v23;
	_ =	sdelay $0x1  }
0x64: {  	v3 =	vadd.s32 v1, v3;
	_ =	sdelay $0x1  }
0x65: {  	s0 =	simm.s32 $0xA400  }
0x66: {  	[tilespmem:s0], [sflag:$0x1] =	stream.indirect_vreg.gather [hbm4b:s2+s4], $0x80, v4, vm0, $0xb8;
	[tilespmem:$0x1B400] =	vst v63  }
0x67: {  	s0 =	simm.s32 $0xAC00  }
0x68: {  	[tilespmem:s0], [sflag:$0x1] =	stream.indirect_vreg.gather [hbm4b:s2+s4], $0x80, v3, vm0, $0xb8;
	[tilespmem:$0x1B400] =	vst v63  }
0x69: {  	v3 =	vld [tilespmem:$0x80];
	_ =	sdelay $0x4  }
0x6a: {  	v24 =	vperm.xlane v3, v0;
	_ =	sdelay $0x1  }
0x6b: {  	v3 =	vperm.xlane v3, v2;
	v4 =	vadd.s32 v1, v24;
	_ =	sdelay $0x1  }
0x6c: {  	v3 =	vadd.s32 v1, v3;
	_ =	sdelay $0x1  }
0x6d: {  	s0 =	simm.s32 $0x3800  }
0x6e: {  	[tilespmem:s0], [sflag:$0x1] =	stream.indirect_vreg.gather [hbm4b:s2+s4], $0x80, v4, vm0, $0xb8;
	[tilespmem:$0x1B400] =	vst v63  }
0x6f: {  	s0 =	simm.s32 $0x4000  }
0x70: {  	[tilespmem:s0], [sflag:$0x1] =	stream.indirect_vreg.gather [hbm4b:s2+s4], $0x80, v3, vm0, $0xb8;
	[tilespmem:$0x1B400] =	vst v63  }
0x71: {  	v3 =	vld [tilespmem:$0x90];
	_ =	sdelay $0x4  }
0x72: {  	v25 =	vperm.xlane v3, v0;
	_ =	sdelay $0x1  }
0x73: {  	v3 =	vperm.xlane v3, v2;
	v4 =	vadd.s32 v1, v25;
	_ =	sdelay $0x1  }
0x74: {  	v3 =	vadd.s32 v1, v3;
	_ =	sdelay $0x1  }
0x75: {  	s0 =	simm.s32 $0x4800  }
0x76: {  	[tilespmem:s0], [sflag:$0x1] =	stream.indirect_vreg.gather [hbm4b:s2+s4], $0x80, v4, vm0, $0xb8;
	[tilespmem:$0x1B400] =	vst v63  }
0x77: {  	s0 =	simm.s32 $0x5000  }
0x78: {  	[tilespmem:s0], [sflag:$0x1] =	stream.indirect_vreg.gather [hbm4b:s2+s4], $0x80, v3, vm0, $0xb8;
	[tilespmem:$0x1B400] =	vst v63  }
0x79: {  	v3 =	vld [tilespmem:$0xA0];
	_ =	sdelay $0x4  }
0x7a: {  	v26 =	vperm.xlane v3, v0;
	_ =	sdelay $0x1  }
0x7b: {  	v3 =	vperm.xlane v3, v2;
	v4 =	vadd.s32 v1, v26;
	_ =	sdelay $0x1  }
0x7c: {  	v3 =	vadd.s32 v1, v3;
	_ =	sdelay $0x1  }
0x7d: {  	s0 =	simm.s32 $0x5800  }
0x7e: {  	[tilespmem:s0], [sflag:$0x1] =	stream.indirect_vreg.gather [hbm4b:s2+s4], $0x80, v4, vm0, $0xb8;
	[tilespmem:$0x1B400] =	vst v63  }
0x7f: {  	s0 =	simm.s32 $0x6000  }
0x80: {  	[tilespmem:s0], [sflag:$0x1] =	stream.indirect_vreg.gather [hbm4b:s2+s4], $0x80, v3, vm0, $0xb8;
	[tilespmem:$0x1B400] =	vst v63  }
0x81: {  	v3 =	vld [tilespmem:$0xB0];
	_ =	sdelay $0x4  }
0x82: {  	v27 =	vperm.xlane v3, v0;
	_ =	sdelay $0x1  }
0x83: {  	v3 =	vperm.xlane v3, v2;
	v4 =	vadd.s32 v1, v27;
	_ =	sdelay $0x1  }
0x84: {  	v3 =	vadd.s32 v1, v3;
	_ =	sdelay $0x2  }
0x85: {  	[tilespmem:s15], [sflag:$0x1] =	stream.indirect_vreg.gather [hbm4b:s2+s4], $0x80, v4, vm0, $0xb8;
	[tilespmem:$0x1B400] =	vst v63  }
0x86: {  	s0 =	simm.s32 $0x7000  }
0x87: {  	[tilespmem:s0], [sflag:$0x1] =	stream.indirect_vreg.gather [hbm4b:s2+s4], $0x80, v3, vm0, $0xb8;
	[tilespmem:$0x1B400] =	vst v63  }
0x88: {  	v3 =	vld [tilespmem:$0xC0];
	_ =	sdelay $0x4  }
0x89: {  	v28 =	vperm.xlane v3, v0;
	_ =	sdelay $0x1  }
0x8a: {  	v3 =	vperm.xlane v3, v2;
	v4 =	vadd.s32 v1, v28;
	_ =	sdelay $0x1  }
0x8b: {  	v3 =	vadd.s32 v1, v3;
	_ =	sdelay $0x1  }
0x8c: {  	s0 =	simm.s32 $0x7800  }
0x8d: {  	[tilespmem:s0], [sflag:$0x1] =	stream.indirect_vreg.gather [hbm4b:s2+s4], $0x80, v4, vm0, $0xb8;
	[tilespmem:$0x1B400] =	vst v63  }
0x8e: {  	s0 =	simm.s32 $0x8000  }
0x8f: {  	[tilespmem:s0], [sflag:$0x1] =	stream.indirect_vreg.gather [hbm4b:s2+s4], $0x80, v3, vm0, $0xb8;
	[tilespmem:$0x1B400] =	vst v63  }
0x90: {  	v3 =	vld [tilespmem:$0xD0];
	_ =	sdelay $0x4  }
0x91: {  	v29 =	vperm.xlane v3, v0;
	_ =	sdelay $0x1  }
0x92: {  	v3 =	vperm.xlane v3, v2;
	v4 =	vadd.s32 v1, v29;
	_ =	sdelay $0x1  }
0x93: {  	v3 =	vadd.s32 v1, v3;
	_ =	sdelay $0x1  }
0x94: {  	s0 =	simm.s32 $0x8800  }
0x95: {  	[tilespmem:s0], [sflag:$0x1] =	stream.indirect_vreg.gather [hbm4b:s2+s4], $0x80, v4, vm0, $0xb8;
	[tilespmem:$0x1B400] =	vst v63  }
0x96: {  	s0 =	simm.s32 $0x9000  }
0x97: {  	[tilespmem:s0], [sflag:$0x1] =	stream.indirect_vreg.gather [hbm4b:s2+s4], $0x80, v3, vm0, $0xb8;
	[tilespmem:$0x1B400] =	vst v63  }
0x98: {  	v3 =	vld [tilespmem:$0xE0];
	_ =	sdelay $0x4  }
0x99: {  	v30 =	vperm.xlane v3, v0;
	_ =	sdelay $0x1  }
0x9a: {  	v3 =	vperm.xlane v3, v2;
	v4 =	vadd.s32 v1, v30;
	_ =	sdelay $0x1  }
0x9b: {  	v3 =	vadd.s32 v1, v3;
	_ =	sdelay $0x1  }
0x9c: {  	s0 =	simm.s32 $0x9800  }
0x9d: {  	[tilespmem:s0], [sflag:$0x1] =	stream.indirect_vreg.gather [hbm4b:s2+s4], $0x80, v4, vm0, $0xb8;
	[tilespmem:$0x1B400] =	vst v63  }
0x9e: {  	s0 =	simm.s32 $0xA000  }
0x9f: {  	[tilespmem:s0], [sflag:$0x1] =	stream.indirect_vreg.gather [hbm4b:s2+s4], $0x80, v3, vm0, $0xb8;
	[tilespmem:$0x1B400] =	vst v63  }
0xa0: {  	v3 =	vld [tilespmem:$0xF0];
	_ =	sdelay $0x4  }
0xa1: {  	v31 =	vperm.xlane v3, v0;
	_ =	sdelay $0x1  }
0xa2: {  	v3 =	vperm.xlane v3, v2;
	v4 =	vadd.s32 v1, v31;
	_ =	sdelay $0x1  }
0xa3: {  	v3 =	vadd.s32 v1, v3;
	_ =	sdelay $0x1  }
0xa4: {  	s0 =	simm.s32 $0xA800  }
0xa5: {  	[tilespmem:s0], [sflag:$0x1] =	stream.indirect_vreg.gather [hbm4b:s2+s4], $0x80, v4, vm0, $0xb8;
	[tilespmem:$0x1B400] =	vst v63  }
0xa6: {  	s0 =	simm.s32 $0xB000  }
0xa7: {  	[tilespmem:s0], [sflag:$0x1] =	stream.indirect_vreg.gather [hbm4b:s2+s4], $0x80, v3, vm0, $0xb8;
	[tilespmem:$0x1B400] =	vst v63  }
0xa8: {  	_ =	swait.ge [sflag:s23], $0x8000  }
0xa9: {  	[sflag:s23] =	ssyncset.done $0x0  }
0xaa: {  	s30 =	simm.s32 $0x3400;
	s0 =	rddreg [dreg:$0x5];
	[sflag:s23] =	ssyncadd.s32 $0xFFFF8000  }
0xab: {  	[hbm4b:s0+s24] =	stream.strided.scatter [tilespmem:s30], [sflag:$0x4], $0x8000, s15, s24, $0x38;
	[tilespmem:$0x1B400] =	vst v63  }
0xac: {  	v3 =	vld [tilespmem:$0x100];
	_ =	sdelay $0x4  }
0xad: {  	v32 =	vperm.xlane v3, v0;
	_ =	sdelay $0x1  }
0xae: {  	v3 =	vperm.xlane v3, v2;
	v4 =	vadd.s32 v1, v32;
	_ =	sdelay $0x1  }
0xaf: {  	v3 =	vadd.s32 v1, v3;
	_ =	sdelay $0x2  }
0xb0: {  	[tilespmem:s25], [sflag:$0x2] =	stream.indirect_vreg.gather [hbm4b:s2+s4], $0x80, v4, vm0, $0xb8;
	[tilespmem:$0x1B400] =	vst v63  }
0xb1: {  	_ = 	snop  }
0xb2: {  	[tilespmem:s6], [sflag:$0x2] =	stream.indirect_vreg.gather [hbm4b:s2+s4], $0x80, v3, vm0, $0xb8;
	[tilespmem:$0x1B400] =	vst v63  }
0xb3: {  	v3 =	vld [tilespmem:$0x110];
	_ =	sdelay $0x4  }
0xb4: {  	v33 =	vperm.xlane v3, v0;
	_ =	sdelay $0x1  }
0xb5: {  	v3 =	vperm.xlane v3, v2;
	v4 =	vadd.s32 v1, v33;
	_ =	sdelay $0x1  }
0xb6: {  	v3 =	vadd.s32 v1, v3;
	_ =	sdelay $0x2  }
0xb7: {  	[tilespmem:s9], [sflag:$0x2] =	stream.indirect_vreg.gather [hbm4b:s2+s4], $0x80, v4, vm0, $0xb8;
	[tilespmem:$0x1B400] =	vst v63  }
0xb8: {  	_ = 	snop  }
0xb9: {  	[tilespmem:s10], [sflag:$0x2] =	stream.indirect_vreg.gather [hbm4b:s2+s4], $0x80, v3, vm0, $0xb8;
	[tilespmem:$0x1B400] =	vst v63  }
0xba: {  	v3 =	vld [tilespmem:$0x120];
	_ =	sdelay $0x4  }
0xbb: {  	v34 =	vperm.xlane v3, v0;
	_ =	sdelay $0x1  }
0xbc: {  	v3 =	vperm.xlane v3, v2;
	v4 =	vadd.s32 v1, v34;
	_ =	sdelay $0x1  }
0xbd: {  	v3 =	vadd.s32 v1, v3;
	_ =	sdelay $0x2  }
0xbe: {  	[tilespmem:s18], [sflag:$0x2] =	stream.indirect_vreg.gather [hbm4b:s2+s4], $0x80, v4, vm0, $0xb8;
	[tilespmem:$0x1B400] =	vst v63  }
0xbf: {  	_ = 	snop  }
0xc0: {  	[tilespmem:s7], [sflag:$0x2] =	stream.indirect_vreg.gather [hbm4b:s2+s4], $0x80, v3, vm0, $0xb8;
	[tilespmem:$0x1B400] =	vst v63  }
0xc1: {  	v3 =	vld [tilespmem:$0x130];
	_ =	sdelay $0x4  }
0xc2: {  	v35 =	vperm.xlane v3, v0;
	_ =	sdelay $0x1  }
0xc3: {  	v3 =	vperm.xlane v3, v2;
	v4 =	vadd.s32 v1, v35;
	_ =	sdelay $0x1  }
0xc4: {  	v3 =	vadd.s32 v1, v3;
	_ =	sdelay $0x2  }
0xc5: {  	[tilespmem:s12], [sflag:$0x2] =	stream.indirect_vreg.gather [hbm4b:s2+s4], $0x80, v4, vm0, $0xb8;
	[tilespmem:$0x1B400] =	vst v63  }
0xc6: {  	_ = 	snop  }
0xc7: {  	[tilespmem:s13], [sflag:$0x2] =	stream.indirect_vreg.gather [hbm4b:s2+s4], $0x80, v3, vm0, $0xb8;
	[tilespmem:$0x1B400] =	vst v63  }
0xc8: {  	v3 =	vld [tilespmem:$0x140];
	_ =	sdelay $0x4  }
0xc9: {  	v36 =	vperm.xlane v3, v0;
	_ =	sdelay $0x1  }
0xca: {  	v3 =	vperm.xlane v3, v2;
	v4 =	vadd.s32 v1, v36;
	_ =	sdelay $0x1  }
0xcb: {  	v3 =	vadd.s32 v1, v3;
	_ =	sdelay $0x2  }
0xcc: {  	[tilespmem:s14], [sflag:$0x2] =	stream.indirect_vreg.gather [hbm4b:s2+s4], $0x80, v4, vm0, $0xb8;
	[tilespmem:$0x1B400] =	vst v63  }
0xcd: {  	_ = 	snop  }
0xce: {  	[tilespmem:s17], [sflag:$0x2] =	stream.indirect_vreg.gather [hbm4b:s2+s4], $0x80, v3, vm0, $0xb8;
	[tilespmem:$0x1B400] =	vst v63  }
0xcf: {  	v3 =	vld [tilespmem:$0x150];
	_ =	sdelay $0x4  }
0xd0: {  	v37 =	vperm.xlane v3, v0;
	_ =	sdelay $0x1  }
0xd1: {  	v3 =	vperm.xlane v3, v2;
	v4 =	vadd.s32 v1, v37;
	_ =	sdelay $0x1  }
0xd2: {  	v3 =	vadd.s32 v1, v3;
	_ =	sdelay $0x2  }
0xd3: {  	[tilespmem:s16], [sflag:$0x2] =	stream.indirect_vreg.gather [hbm4b:s2+s4], $0x80, v4, vm0, $0xb8;
	[tilespmem:$0x1B400] =	vst v63  }
0xd4: {  	_ = 	snop  }
0xd5: {  	[tilespmem:s19], [sflag:$0x2] =	stream.indirect_vreg.gather [hbm4b:s2+s4], $0x80, v3, vm0, $0xb8;
	[tilespmem:$0x1B400] =	vst v63  }
0xd6: {  	v3 =	vld [tilespmem:$0x160];
	_ =	sdelay $0x4  }
0xd7: {  	v38 =	vperm.xlane v3, v0;
	_ =	sdelay $0x1  }
0xd8: {  	v3 =	vperm.xlane v3, v2;
	v4 =	vadd.s32 v1, v38;
	_ =	sdelay $0x1  }
0xd9: {  	v3 =	vadd.s32 v1, v3;
	_ =	sdelay $0x2  }
0xda: {  	[tilespmem:s22], [sflag:$0x2] =	stream.indirect_vreg.gather [hbm4b:s2+s4], $0x80, v4, vm0, $0xb8;
	[tilespmem:$0x1B400] =	vst v63  }
0xdb: {  	_ = 	snop  }
0xdc: {  	[tilespmem:s26], [sflag:$0x2] =	stream.indirect_vreg.gather [hbm4b:s2+s4], $0x80, v3, vm0, $0xb8;
	[tilespmem:$0x1B400] =	vst v63  }
0xdd: {  	v3 =	vld [tilespmem:$0x170];
	_ =	sdelay $0x4  }
0xde: {  	v39 =	vperm.xlane v3, v0;
	_ =	sdelay $0x1  }
0xdf: {  	v3 =	vperm.xlane v3, v2;
	v4 =	vadd.s32 v1, v39;
	_ =	sdelay $0x1  }
0xe0: {  	v3 =	vadd.s32 v1, v3;
	_ =	sdelay $0x2  }
0xe1: {  	[tilespmem:s28], [sflag:$0x2] =	stream.indirect_vreg.gather [hbm4b:s2+s4], $0x80, v4, vm0, $0xb8;
	[tilespmem:$0x1B400] =	vst v63  }
0xe2: {  	_ = 	snop  }
0xe3: {  	[tilespmem:s29], [sflag:$0x2] =	stream.indirect_vreg.gather [hbm4b:s2+s4], $0x80, v3, vm0, $0xb8;
	[tilespmem:$0x1B400] =	vst v63  }
0xe4: {  	v3 =	vld [tilespmem:$0x180];
	_ =	sdelay $0x4  }
0xe5: {  	v40 =	vperm.xlane v3, v0;
	_ =	sdelay $0x1  }
0xe6: {  	v3 =	vperm.xlane v3, v2;
	v4 =	vadd.s32 v1, v40;
	_ =	sdelay $0x1  }
0xe7: {  	v3 =	vadd.s32 v1, v3;
	_ =	sdelay $0x1  }
0xe8: {  	s7 =	simm.s32 $0xB800  }
0xe9: {  	[tilespmem:s7], [sflag:$0x2] =	stream.indirect_vreg.gather [hbm4b:s2+s4], $0x80, v4, vm0, $0xb8;
	[tilespmem:$0x1B400] =	vst v63  }
0xea: {  	_ = 	snop  }
0xeb: {  	[tilespmem:s31], [sflag:$0x2] =	stream.indirect_vreg.gather [hbm4b:s2+s4], $0x80, v3, vm0, $0xb8;
	[tilespmem:$0x1B400] =	vst v63  }
0xec: {  	v3 =	vld [tilespmem:$0x190];
	_ =	sdelay $0x4  }
0xed: {  	v41 =	vperm.xlane v3, v0;
	_ =	sdelay $0x1  }
0xee: {  	v3 =	vperm.xlane v3, v2;
	v4 =	vadd.s32 v1, v41;
	_ =	sdelay $0x1  }
0xef: {  	v3 =	vadd.s32 v1, v3;
	_ =	sdelay $0x1  }
0xf0: {  	s9 =	simm.s32 $0xC800  }
0xf1: {  	[tilespmem:s9], [sflag:$0x2] =	stream.indirect_vreg.gather [hbm4b:s2+s4], $0x80, v4, vm0, $0xb8;
	[tilespmem:$0x1B400] =	vst v63  }
0xf2: {  	s10 =	simm.s32 $0xD000  }
0xf3: {  	[tilespmem:s10], [sflag:$0x2] =	stream.indirect_vreg.gather [hbm4b:s2+s4], $0x80, v3, vm0, $0xb8;
	[tilespmem:$0x1B400] =	vst v63  }
0xf4: {  	v3 =	vld [tilespmem:$0x1A0];
	_ =	sdelay $0x4  }
0xf5: {  	v42 =	vperm.xlane v3, v0;
	_ =	sdelay $0x1  }
0xf6: {  	v3 =	vperm.xlane v3, v2;
	v4 =	vadd.s32 v1, v42;
	_ =	sdelay $0x1  }
0xf7: {  	v3 =	vadd.s32 v1, v3;
	_ =	sdelay $0x1  }
0xf8: {  	s12 =	simm.s32 $0xD800  }
0xf9: {  	[tilespmem:s12], [sflag:$0x2] =	stream.indirect_vreg.gather [hbm4b:s2+s4], $0x80, v4, vm0, $0xb8;
	[tilespmem:$0x1B400] =	vst v63  }
0xfa: {  	s13 =	simm.s32 $0xE000  }
0xfb: {  	[tilespmem:s13], [sflag:$0x2] =	stream.indirect_vreg.gather [hbm4b:s2+s4], $0x80, v3, vm0, $0xb8;
	[tilespmem:$0x1B400] =	vst v63  }
0xfc: {  	v3 =	vld [tilespmem:$0x1B0];
	_ =	sdelay $0x4  }
0xfd: {  	v43 =	vperm.xlane v3, v0;
	_ =	sdelay $0x1  }
0xfe: {  	v3 =	vperm.xlane v3, v2;
	v4 =	vadd.s32 v1, v43;
	_ =	sdelay $0x1  }
0xff: {  	v3 =	vadd.s32 v1, v3;
	_ =	sdelay $0x1  }
0x100: {  	s14 =	simm.s32 $0xE800  }
0x101: {  	[tilespmem:s14], [sflag:$0x2] =	stream.indirect_vreg.gather [hbm4b:s2+s4], $0x80, v4, vm0, $0xb8;
	[tilespmem:$0x1B400] =	vst v63  }
0x102: {  	s16 =	simm.s32 $0xF000  }
0x103: {  	[tilespmem:s16], [sflag:$0x2] =	stream.indirect_vreg.gather [hbm4b:s2+s4], $0x80, v3, vm0, $0xb8;
	[tilespmem:$0x1B400] =	vst v63  }
0x104: {  	v3 =	vld [tilespmem:$0x1C0];
	_ =	sdelay $0x4  }
0x105: {  	v44 =	vperm.xlane v3, v0;
	_ =	sdelay $0x1  }
0x106: {  	v3 =	vperm.xlane v3, v2;
	v4 =	vadd.s32 v1, v44;
	_ =	sdelay $0x1  }
0x107: {  	v3 =	vadd.s32 v1, v3;
	_ =	sdelay $0x1  }
0x108: {  	s17 =	simm.s32 $0xF800  }
0x109: {  	[tilespmem:s17], [sflag:$0x2] =	stream.indirect_vreg.gather [hbm4b:s2+s4], $0x80, v4, vm0, $0xb8;
	[tilespmem:$0x1B400] =	vst v63  }
0x10a: {  	s18 =	simm.s32 $0x10000  }
0x10b: {  	[tilespmem:s18], [sflag:$0x2] =	stream.indirect_vreg.gather [hbm4b:s2+s4], $0x80, v3, vm0, $0xb8;
	[tilespmem:$0x1B400] =	vst v63  }
0x10c: {  	v3 =	vld [tilespmem:$0x1D0];
	_ =	sdelay $0x4  }
0x10d: {  	v45 =	vperm.xlane v3, v0;
	_ =	sdelay $0x1  }
0x10e: {  	v3 =	vperm.xlane v3, v2;
	v4 =	vadd.s32 v1, v45;
	_ =	sdelay $0x1  }
0x10f: {  	v3 =	vadd.s32 v1, v3;
	_ =	sdelay $0x1  }
0x110: {  	s19 =	simm.s32 $0x10800  }
0x111: {  	[tilespmem:s19], [sflag:$0x2] =	stream.indirect_vreg.gather [hbm4b:s2+s4], $0x80, v4, vm0, $0xb8;
	[tilespmem:$0x1B400] =	vst v63  }
0x112: {  	s22 =	simm.s32 $0x11000  }
0x113: {  	[tilespmem:s22], [sflag:$0x2] =	stream.indirect_vreg.gather [hbm4b:s2+s4], $0x80, v3, vm0, $0xb8;
	[tilespmem:$0x1B400] =	vst v63  }
0x114: {  	v3 =	vld [tilespmem:$0x1E0];
	_ =	sdelay $0x4  }
0x115: {  	v46 =	vperm.xlane v3, v0;
	_ =	sdelay $0x1  }
0x116: {  	v3 =	vperm.xlane v3, v2;
	v4 =	vadd.s32 v1, v46;
	_ =	sdelay $0x1  }
0x117: {  	v3 =	vadd.s32 v1, v3;
	_ =	sdelay $0x1  }
0x118: {  	s26 =	simm.s32 $0x11800  }
0x119: {  	[tilespmem:s26], [sflag:$0x2] =	stream.indirect_vreg.gather [hbm4b:s2+s4], $0x80, v4, vm0, $0xb8;
	[tilespmem:$0x1B400] =	vst v63  }
0x11a: {  	s31 =	simm.s32 $0x12000  }
0x11b: {  	[tilespmem:s31], [sflag:$0x2] =	stream.indirect_vreg.gather [hbm4b:s2+s4], $0x80, v3, vm0, $0xb8;
	[tilespmem:$0x1B400] =	vst v63  }
0x11c: {  	v3 =	vld [tilespmem:$0x1F0];
	_ =	sdelay $0x4  }
0x11d: {  	v47 =	vperm.xlane v3, v0;
	_ =	sdelay $0x1  }
0x11e: {  	v3 =	vperm.xlane v3, v2;
	v4 =	vadd.s32 v1, v47;
	_ =	sdelay $0x1  }
0x11f: {  	v3 =	vadd.s32 v1, v3;
	_ =	sdelay $0x1  }
0x120: {  	s6 =	simm.s32 $0x12800  }
0x121: {  	[tilespmem:s6], [sflag:$0x2] =	stream.indirect_vreg.gather [hbm4b:s2+s4], $0x80, v4, vm0, $0xb8;
	[tilespmem:$0x1B400] =	vst v63  }
0x122: {  	s7 =	simm.s32 $0x13000  }
0x123: {  	[tilespmem:s7], [sflag:$0x2] =	stream.indirect_vreg.gather [hbm4b:s2+s4], $0x80, v3, vm0, $0xb8;
	[tilespmem:$0x1B400] =	vst v63  }
0x124: {  	_ =	swait.ge [sflag:s5], $0x8000  }
0x125: {  	[sflag:s5] =	ssyncset.done $0x0  }
0x126: {  	s9 =	rddreg [dreg:$0x6];
	[sflag:s5] =	ssyncadd.s32 $0xFFFF8000  }
0x127: {  	[hbm4b:s9+s24] =	stream.strided.scatter [tilespmem:s25], [sflag:$0x5], $0x8000, s15, s24, $0x38;
	[tilespmem:$0x1B400] =	vst v63  }
0x128: {  	v3 =	vld [tilespmem:$0x200];
	_ =	sdelay $0x4  }
0x129: {  	v48 =	vperm.xlane v3, v0;
	_ =	sdelay $0x1  }
0x12a: {  	v3 =	vperm.xlane v3, v2;
	v4 =	vadd.s32 v1, v48;
	_ =	sdelay $0x1  }
0x12b: {  	v3 =	vadd.s32 v1, v3;
	_ =	sdelay $0x2  }
0x12c: {  	[tilespmem:s11], [sflag:$0x3] =	stream.indirect_vreg.gather [hbm4b:s2+s4], $0x80, v4, vm0, $0xb8;
	[tilespmem:$0x1B400] =	vst v63  }
0x12d: {  	s10 =	simm.s32 $0x13C00  }
0x12e: {  	[tilespmem:s10], [sflag:$0x3] =	stream.indirect_vreg.gather [hbm4b:s2+s4], $0x80, v3, vm0, $0xb8;
	[tilespmem:$0x1B400] =	vst v63  }
0x12f: {  	v3 =	vld [tilespmem:$0x210];
	_ =	sdelay $0x4  }
0x130: {  	v49 =	vperm.xlane v3, v0;
	_ =	sdelay $0x1  }
0x131: {  	v3 =	vperm.xlane v3, v2;
	v4 =	vadd.s32 v1, v49;
	_ =	sdelay $0x1  }
0x132: {  	v3 =	vadd.s32 v1, v3;
	_ =	sdelay $0x1  }
0x133: {  	s11 =	simm.s32 $0x14400  }
0x134: {  	[tilespmem:s11], [sflag:$0x3] =	stream.indirect_vreg.gather [hbm4b:s2+s4], $0x80, v4, vm0, $0xb8;
	[tilespmem:$0x1B400] =	vst v63  }
0x135: {  	s12 =	simm.s32 $0x14C00  }
0x136: {  	[tilespmem:s12], [sflag:$0x3] =	stream.indirect_vreg.gather [hbm4b:s2+s4], $0x80, v3, vm0, $0xb8;
	[tilespmem:$0x1B400] =	vst v63  }
0x137: {  	v3 =	vld [tilespmem:$0x220];
	_ =	sdelay $0x4  }
0x138: {  	v50 =	vperm.xlane v3, v0;
	_ =	sdelay $0x1  }
0x139: {  	v3 =	vperm.xlane v3, v2;
	v4 =	vadd.s32 v1, v50;
	_ =	sdelay $0x1  }
0x13a: {  	v3 =	vadd.s32 v1, v3;
	_ =	sdelay $0x1  }
0x13b: {  	s13 =	simm.s32 $0x15400  }
0x13c: {  	[tilespmem:s13], [sflag:$0x3] =	stream.indirect_vreg.gather [hbm4b:s2+s4], $0x80, v4, vm0, $0xb8;
	[tilespmem:$0x1B400] =	vst v63  }
0x13d: {  	s14 =	simm.s32 $0x15C00  }
0x13e: {  	[tilespmem:s14], [sflag:$0x3] =	stream.indirect_vreg.gather [hbm4b:s2+s4], $0x80, v3, vm0, $0xb8;
	[tilespmem:$0x1B400] =	vst v63  }
0x13f: {  	v3 =	vld [tilespmem:$0x230];
	_ =	sdelay $0x4  }
0x140: {  	v51 =	vperm.xlane v3, v0;
	_ =	sdelay $0x1  }
0x141: {  	v3 =	vperm.xlane v3, v2;
	v4 =	vadd.s32 v1, v51;
	_ =	sdelay $0x1  }
0x142: {  	v3 =	vadd.s32 v1, v3;
	_ =	sdelay $0x1  }
0x143: {  	s16 =	simm.s32 $0x16400  }
0x144: {  	[tilespmem:s16], [sflag:$0x3] =	stream.indirect_vreg.gather [hbm4b:s2+s4], $0x80, v4, vm0, $0xb8;
	[tilespmem:$0x1B400] =	vst v63  }
0x145: {  	s17 =	simm.s32 $0x16C00  }
0x146: {  	[tilespmem:s17], [sflag:$0x3] =	stream.indirect_vreg.gather [hbm4b:s2+s4], $0x80, v3, vm0, $0xb8;
	[tilespmem:$0x1B400] =	vst v63  }
0x147: {  	v3 =	vld [tilespmem:$0x240];
	_ =	sdelay $0x4  }
0x148: {  	v52 =	vperm.xlane v3, v0;
	_ =	sdelay $0x1  }
0x149: {  	v3 =	vperm.xlane v3, v2;
	v4 =	vadd.s32 v1, v52;
	_ =	sdelay $0x1  }
0x14a: {  	v3 =	vadd.s32 v1, v3;
	_ =	sdelay $0x1  }
0x14b: {  	s18 =	simm.s32 $0x17400  }
0x14c: {  	[tilespmem:s18], [sflag:$0x3] =	stream.indirect_vreg.gather [hbm4b:s2+s4], $0x80, v4, vm0, $0xb8;
	[tilespmem:$0x1B400] =	vst v63  }
0x14d: {  	s19 =	simm.s32 $0x17C00  }
0x14e: {  	[tilespmem:s19], [sflag:$0x3] =	stream.indirect_vreg.gather [hbm4b:s2+s4], $0x80, v3, vm0, $0xb8;
	[tilespmem:$0x1B400] =	vst v63  }
0x14f: {  	v3 =	vld [tilespmem:$0x250];
	_ =	sdelay $0x4  }
0x150: {  	v53 =	vperm.xlane v3, v0;
	_ =	sdelay $0x1  }
0x151: {  	v3 =	vperm.xlane v3, v2;
	v4 =	vadd.s32 v1, v53;
	_ =	sdelay $0x1  }
0x152: {  	v3 =	vadd.s32 v1, v3;
	_ =	sdelay $0x1  }
0x153: {  	s22 =	simm.s32 $0x18400  }
0x154: {  	[tilespmem:s22], [sflag:$0x3] =	stream.indirect_vreg.gather [hbm4b:s2+s4], $0x80, v4, vm0, $0xb8;
	[tilespmem:$0x1B400] =	vst v63  }
0x155: {  	s25 =	simm.s32 $0x18C00  }
0x156: {  	[tilespmem:s25], [sflag:$0x3] =	stream.indirect_vreg.gather [hbm4b:s2+s4], $0x80, v3, vm0, $0xb8;
	[tilespmem:$0x1B400] =	vst v63  }
0x157: {  	v3 =	vld [tilespmem:$0x260];
	_ =	sdelay $0x4  }
0x158: {  	v54 =	vperm.xlane v3, v0;
	_ =	sdelay $0x1  }
0x159: {  	v3 =	vperm.xlane v3, v2;
	v4 =	vadd.s32 v1, v54;
	_ =	sdelay $0x1  }
0x15a: {  	v3 =	vadd.s32 v1, v3;
	_ =	sdelay $0x1  }
0x15b: {  	s26 =	simm.s32 $0x19400  }
0x15c: {  	[tilespmem:s26], [sflag:$0x3] =	stream.indirect_vreg.gather [hbm4b:s2+s4], $0x80, v4, vm0, $0xb8;
	[tilespmem:$0x1B400] =	vst v63  }
0x15d: {  	s31 =	simm.s32 $0x19C00  }
0x15e: {  	[tilespmem:s31], [sflag:$0x3] =	stream.indirect_vreg.gather [hbm4b:s2+s4], $0x80, v3, vm0, $0xb8;
	[tilespmem:$0x1B400] =	vst v63  }
0x15f: {  	v3 =	vld [tilespmem:$0x270];
	_ =	sdelay $0x4  }
0x160: {  	v55 =	vperm.xlane v3, v0;
	_ =	sdelay $0x1  }
0x161: {  	v3 =	vperm.xlane v3, v2;
	v4 =	vadd.s32 v1, v55;
	_ =	sdelay $0x1  }
0x162: {  	v3 =	vadd.s32 v1, v3;
	_ =	sdelay $0x1  }
0x163: {  	s6 =	simm.s32 $0x1A400  }
0x164: {  	[tilespmem:s6], [sflag:$0x3] =	stream.indirect_vreg.gather [hbm4b:s2+s4], $0x80, v4, vm0, $0xb8;
	[tilespmem:$0x1B400] =	vst v63  }
0x165: {  	s7 =	simm.s32 $0x1AC00  }
0x166: {  	[tilespmem:s7], [sflag:$0x3] =	stream.indirect_vreg.gather [hbm4b:s2+s4], $0x80, v3, vm0, $0xb8;
	[tilespmem:$0x1B400] =	vst v63  }
0x167: {  	v3 =	vld [tilespmem:$0x280];
	_ =	sdelay $0x4  }
0x168: {  	v56 =	vperm.xlane v3, v0;
	_ =	sdelay $0x1  }
0x169: {  	v3 =	vperm.xlane v3, v2;
	v4 =	vadd.s32 v1, v56;
	_ =	sdelay $0x1  }
0x16a: {  	v3 =	vadd.s32 v1, v3;
	_ =	sdelay $0x1  }
0x16b: {  	s9 =	simm.s32 $0x13800  }
0x16c: {  	[tilespmem:s9], [sflag:$0x3] =	stream.indirect_vreg.gather [hbm4b:s2+s4], $0x80, v4, vm0, $0xb8;
	[tilespmem:$0x1B400] =	vst v63  }
0x16d: {  	s10 =	simm.s32 $0x14000  }
0x16e: {  	[tilespmem:s10], [sflag:$0x3] =	stream.indirect_vreg.gather [hbm4b:s2+s4], $0x80, v3, vm0, $0xb8;
	[tilespmem:$0x1B400] =	vst v63  }
0x16f: {  	v3 =	vld [tilespmem:$0x290];
	_ =	sdelay $0x4  }
0x170: {  	v57 =	vperm.xlane v3, v0;
	_ =	sdelay $0x1  }
0x171: {  	v3 =	vperm.xlane v3, v2;
	v4 =	vadd.s32 v1, v57;
	_ =	sdelay $0x1  }
0x172: {  	v3 =	vadd.s32 v1, v3;
	_ =	sdelay $0x1  }
0x173: {  	s11 =	simm.s32 $0x14800  }
0x174: {  	[tilespmem:s11], [sflag:$0x3] =	stream.indirect_vreg.gather [hbm4b:s2+s4], $0x80, v4, vm0, $0xb8;
	[tilespmem:$0x1B400] =	vst v63  }
0x175: {  	s12 =	simm.s32 $0x15000  }
0x176: {  	[tilespmem:s12], [sflag:$0x3] =	stream.indirect_vreg.gather [hbm4b:s2+s4], $0x80, v3, vm0, $0xb8;
	[tilespmem:$0x1B400] =	vst v63  }
0x177: {  	v3 =	vld [tilespmem:$0x2A0];
	_ =	sdelay $0x4  }
0x178: {  	v58 =	vperm.xlane v3, v0;
	_ =	sdelay $0x1  }
0x179: {  	v3 =	vperm.xlane v3, v2;
	v4 =	vadd.s32 v1, v58;
	_ =	sdelay $0x1  }
0x17a: {  	v3 =	vadd.s32 v1, v3;
	_ =	sdelay $0x1  }
0x17b: {  	s13 =	simm.s32 $0x15800  }
0x17c: {  	[tilespmem:s13], [sflag:$0x3] =	stream.indirect_vreg.gather [hbm4b:s2+s4], $0x80, v4, vm0, $0xb8;
	[tilespmem:$0x1B400] =	vst v63  }
0x17d: {  	s14 =	simm.s32 $0x16000  }
0x17e: {  	[tilespmem:s14], [sflag:$0x3] =	stream.indirect_vreg.gather [hbm4b:s2+s4], $0x80, v3, vm0, $0xb8;
	[tilespmem:$0x1B400] =	vst v63  }
0x17f: {  	v3 =	vld [tilespmem:$0x2B0];
	_ =	sdelay $0x4  }
0x180: {  	v59 =	vperm.xlane v3, v0;
	_ =	sdelay $0x1  }
0x181: {  	v3 =	vperm.xlane v3, v2;
	v4 =	vadd.s32 v1, v59;
	_ =	sdelay $0x1  }
0x182: {  	v3 =	vadd.s32 v1, v3;
	_ =	sdelay $0x1  }
0x183: {  	s16 =	simm.s32 $0x16800  }
0x184: {  	[tilespmem:s16], [sflag:$0x3] =	stream.indirect_vreg.gather [hbm4b:s2+s4], $0x80, v4, vm0, $0xb8;
	[tilespmem:$0x1B400] =	vst v63  }
0x185: {  	s17 =	simm.s32 $0x17000  }
0x186: {  	[tilespmem:s17], [sflag:$0x3] =	stream.indirect_vreg.gather [hbm4b:s2+s4], $0x80, v3, vm0, $0xb8;
	[tilespmem:$0x1B400] =	vst v63  }
0x187: {  	v3 =	vld [tilespmem:$0x2C0];
	_ =	sdelay $0x4  }
0x188: {  	v60 =	vperm.xlane v3, v0;
	_ =	sdelay $0x1  }
0x189: {  	v3 =	vperm.xlane v3, v2;
	v4 =	vadd.s32 v1, v60;
	_ =	sdelay $0x1  }
0x18a: {  	v3 =	vadd.s32 v1, v3;
	_ =	sdelay $0x1  }
0x18b: {  	s18 =	simm.s32 $0x17800  }
0x18c: {  	[tilespmem:s18], [sflag:$0x3] =	stream.indirect_vreg.gather [hbm4b:s2+s4], $0x80, v4, vm0, $0xb8;
	[tilespmem:$0x1B400] =	vst v63  }
0x18d: {  	s19 =	simm.s32 $0x18000  }
0x18e: {  	[tilespmem:s19], [sflag:$0x3] =	stream.indirect_vreg.gather [hbm4b:s2+s4], $0x80, v3, vm0, $0xb8;
	[tilespmem:$0x1B400] =	vst v63  }
0x18f: {  	v3 =	vld [tilespmem:$0x2D0];
	_ =	sdelay $0x4  }
0x190: {  	v61 =	vperm.xlane v3, v0;
	_ =	sdelay $0x1  }
0x191: {  	v3 =	vperm.xlane v3, v2;
	v4 =	vadd.s32 v1, v61;
	_ =	sdelay $0x1  }
0x192: {  	v3 =	vadd.s32 v1, v3;
	_ =	sdelay $0x1  }
0x193: {  	s22 =	simm.s32 $0x18800  }
0x194: {  	[tilespmem:s22], [sflag:$0x3] =	stream.indirect_vreg.gather [hbm4b:s2+s4], $0x80, v4, vm0, $0xb8;
	[tilespmem:$0x1B400] =	vst v63  }
0x195: {  	s25 =	simm.s32 $0x19000  }
0x196: {  	[tilespmem:s25], [sflag:$0x3] =	stream.indirect_vreg.gather [hbm4b:s2+s4], $0x80, v3, vm0, $0xb8;
	[tilespmem:$0x1B400] =	vst v63  }
0x197: {  	v3 =	vld [tilespmem:$0x2E0];
	_ =	sdelay $0x4  }
0x198: {  	v62 =	vperm.xlane v3, v0;
	_ =	sdelay $0x1  }
0x199: {  	v3 =	vperm.xlane v3, v2;
	v4 =	vadd.s32 v1, v62;
	_ =	sdelay $0x1  }
0x19a: {  	v3 =	vadd.s32 v1, v3;
	_ =	sdelay $0x1  }
0x19b: {  	s26 =	simm.s32 $0x19800  }
0x19c: {  	[tilespmem:s26], [sflag:$0x3] =	stream.indirect_vreg.gather [hbm4b:s2+s4], $0x80, v4, vm0, $0xb8;
	[tilespmem:$0x1B400] =	vst v63  }
0x19d: {  	s31 =	simm.s32 $0x1A000  }
0x19e: {  	[tilespmem:s31], [sflag:$0x3] =	stream.indirect_vreg.gather [hbm4b:s2+s4], $0x80, v3, vm0, $0xb8;
	[tilespmem:$0x1B400] =	vst v63  }
0x19f: {  	v3 =	vld [tilespmem:$0x2F0];
	_ =	sdelay $0x4  }
0x1a0: {  	s28 =	rddreg [dreg:$0xf];
	v63 =	vperm.xlane v3, v0  }
0x1a1: {  	s0 =	rddreg [dreg:$0xe]  }
0x1a2: {  	s30 =	rddreg [dreg:$0xd];
	v3 =	vperm.xlane v3, v2;
	v4 =	vadd.s32 v1, v63  }
0x1a3: {  	s9 =	rddreg [dreg:$0xc]  }
0x1a4: {  	s29 =	simm.s32 $0xEC00;
	s10 =	rddreg [dreg:$0xb];
	v3 =	vadd.s32 v1, v3  }
0x1a5: {  	s12 =	simm.s32 $0x11C00;
	s13 =	simm.s32 $0xD400;
	s14 =	rddreg [dreg:$0xa]  }
0x1a6: {  	s16 =	simm.s32 $0x1A800;
	s17 =	simm.s32 $0x12C00;
	s18 =	simm.s32 $0xB800  }
0x1a7: {  	[tilespmem:s16], [sflag:$0x3] =	stream.indirect_vreg.gather [hbm4b:s2+s4], $0x80, v4, vm0, $0xb8;
	[tilespmem:$0x1B400] =	vst v63  }
0x1a8: {  	s19 =	simm.s32 $0x1B000;
	s22 =	simm.s32 $0x5F0;
	s26 =	simm.s32 $0x0  }
0x1a9: {  	[tilespmem:s19], [sflag:$0x3] =	stream.indirect_vreg.gather [hbm4b:s2+s4], $0x80, v3, vm0, $0xb8;
	[tilespmem:$0x1B400] =	vst v63  }
.LBB2_2:
0x1aa: {  	s11 =	smulhi.u32 $0x4EC4EC4F, s9;
	_ =	sdelay $0x1  }
0x1ab: {  	s11 =	sshrl.u32 s11, $0x2  }
0x1ac: {  	s11 =	smul.u32 $0x61800, s11;
	_ =	sdelay $0x1  }
0x1ad: {  	_ =	swait.ge [sflag:s20], $0x8000;
	s11 =	sadd.s32 s11, s28  }
0x1ae: {  	[sflag:s20] =	ssyncset.done $0x0;
	s11 =	sshrl.u32 s11, $0x3  }
0x1af: {  	s31 =	simm.s32 $0x13400;
	[sflag:s20] =	ssyncadd.s32 $0xFFFF8000;
	s11 =	sadd.s32 s3, s11  }
0x1b0: {  	[hbm4b:s11+s24] =	stream.strided.scatter [tilespmem:s31], [sflag:$0x6], $0x8000, s15, s24, $0x38;
	[tilespmem:$0x1B400] =	vst v63  }
0x1b1: {  	_ =	swait.ge [sflag:s8], $0x8000  }
0x1b2: {  	[sflag:s8] =	ssyncset.done $0x0  }
0x1b3: {  	[sflag:s8] =	ssyncadd.s32 $0xFFFF8000  }
0x1b4: {  	v3 =	vld [tilespmem:s22+$0xFFFFFD10];
	_ =	sdelay $0x4  }
0x1b5: {  	v4 =	vperm.xlane v3, v0;
	_ =	sdelay $0x1  }
0x1b6: {  	v3 =	vperm.xlane v3, v2;
	v4 =	vadd.s32 v1, v4;
	_ =	sdelay $0x1  }
0x1b7: {  	v3 =	vadd.s32 v1, v3;
	_ =	sdelay $0x1  }
0x1b8: {  	s25 =	simm.s32 $0x3400  }
0x1b9: {  	[tilespmem:s25], [sflag:$0x1] =	stream.indirect_vreg.gather [hbm4b:s2+s4], $0x80, v4, vm0, $0xb8;
	[tilespmem:$0x1B400] =	vst v63  }
0x1ba: {  	s6 =	simm.s32 $0x3C00  }
0x1bb: {  	[tilespmem:s6], [sflag:$0x1] =	stream.indirect_vreg.gather [hbm4b:s2+s4], $0x80, v3, vm0, $0xb8;
	[tilespmem:$0x1B400] =	vst v63  }
0x1bc: {  	v3 =	vld [tilespmem:s22+$0xFFFFFD20];
	_ =	sdelay $0x4  }
0x1bd: {  	v17 =	vperm.xlane v3, v0;
	_ =	sdelay $0x1  }
0x1be: {  	v3 =	vperm.xlane v3, v2;
	v4 =	vadd.s32 v1, v17;
	_ =	sdelay $0x1  }
0x1bf: {  	v3 =	vadd.s32 v1, v3;
	_ =	sdelay $0x1  }
0x1c0: {  	s7 =	simm.s32 $0x4400  }
0x1c1: {  	[tilespmem:s7], [sflag:$0x1] =	stream.indirect_vreg.gather [hbm4b:s2+s4], $0x80, v4, vm0, $0xb8;
	[tilespmem:$0x1B400] =	vst v63  }
0x1c2: {  	s6 =	simm.s32 $0x4C00  }
0x1c3: {  	[tilespmem:s6], [sflag:$0x1] =	stream.indirect_vreg.gather [hbm4b:s2+s4], $0x80, v3, vm0, $0xb8;
	[tilespmem:$0x1B400] =	vst v63  }
0x1c4: {  	v3 =	vld [tilespmem:s22+$0xFFFFFD30];
	_ =	sdelay $0x4  }
0x1c5: {  	v18 =	vperm.xlane v3, v0;
	_ =	sdelay $0x1  }
0x1c6: {  	v3 =	vperm.xlane v3, v2;
	v4 =	vadd.s32 v1, v18;
	_ =	sdelay $0x1  }
0x1c7: {  	v3 =	vadd.s32 v1, v3;
	_ =	sdelay $0x1  }
0x1c8: {  	s7 =	simm.s32 $0x5400  }
0x1c9: {  	[tilespmem:s7], [sflag:$0x1] =	stream.indirect_vreg.gather [hbm4b:s2+s4], $0x80, v4, vm0, $0xb8;
	[tilespmem:$0x1B400] =	vst v63  }
0x1ca: {  	s6 =	simm.s32 $0x5C00  }
0x1cb: {  	[tilespmem:s6], [sflag:$0x1] =	stream.indirect_vreg.gather [hbm4b:s2+s4], $0x80, v3, vm0, $0xb8;
	[tilespmem:$0x1B400] =	vst v63  }
0x1cc: {  	v3 =	vld [tilespmem:s22+$0xFFFFFD40];
	_ =	sdelay $0x4  }
0x1cd: {  	v19 =	vperm.xlane v3, v0;
	_ =	sdelay $0x1  }
0x1ce: {  	v3 =	vperm.xlane v3, v2;
	v4 =	vadd.s32 v1, v19;
	_ =	sdelay $0x1  }
0x1cf: {  	v3 =	vadd.s32 v1, v3;
	_ =	sdelay $0x1  }
0x1d0: {  	s7 =	simm.s32 $0x6400  }
0x1d1: {  	[tilespmem:s7], [sflag:$0x1] =	stream.indirect_vreg.gather [hbm4b:s2+s4], $0x80, v4, vm0, $0xb8;
	[tilespmem:$0x1B400] =	vst v63  }
0x1d2: {  	s6 =	simm.s32 $0x6C00  }
0x1d3: {  	[tilespmem:s6], [sflag:$0x1] =	stream.indirect_vreg.gather [hbm4b:s2+s4], $0x80, v3, vm0, $0xb8;
	[tilespmem:$0x1B400] =	vst v63  }
0x1d4: {  	v3 =	vld [tilespmem:s22+$0xFFFFFD50];
	_ =	sdelay $0x4  }
0x1d5: {  	v20 =	vperm.xlane v3, v0;
	_ =	sdelay $0x1  }
0x1d6: {  	v3 =	vperm.xlane v3, v2;
	v4 =	vadd.s32 v1, v20;
	_ =	sdelay $0x1  }
0x1d7: {  	v3 =	vadd.s32 v1, v3;
	_ =	sdelay $0x1  }
0x1d8: {  	s7 =	simm.s32 $0x7400  }
0x1d9: {  	[tilespmem:s7], [sflag:$0x1] =	stream.indirect_vreg.gather [hbm4b:s2+s4], $0x80, v4, vm0, $0xb8;
	[tilespmem:$0x1B400] =	vst v63  }
0x1da: {  	s6 =	simm.s32 $0x7C00  }
0x1db: {  	[tilespmem:s6], [sflag:$0x1] =	stream.indirect_vreg.gather [hbm4b:s2+s4], $0x80, v3, vm0, $0xb8;
	[tilespmem:$0x1B400] =	vst v63  }
0x1dc: {  	v3 =	vld [tilespmem:s22+$0xFFFFFD60];
	_ =	sdelay $0x4  }
0x1dd: {  	v21 =	vperm.xlane v3, v0;
	_ =	sdelay $0x1  }
0x1de: {  	v3 =	vperm.xlane v3, v2;
	v4 =	vadd.s32 v1, v21;
	_ =	sdelay $0x1  }
0x1df: {  	v3 =	vadd.s32 v1, v3;
	_ =	sdelay $0x1  }
0x1e0: {  	s7 =	simm.s32 $0x8400  }
0x1e1: {  	[tilespmem:s7], [sflag:$0x1] =	stream.indirect_vreg.gather [hbm4b:s2+s4], $0x80, v4, vm0, $0xb8;
	[tilespmem:$0x1B400] =	vst v63  }
0x1e2: {  	s6 =	simm.s32 $0x8C00  }
0x1e3: {  	[tilespmem:s6], [sflag:$0x1] =	stream.indirect_vreg.gather [hbm4b:s2+s4], $0x80, v3, vm0, $0xb8;
	[tilespmem:$0x1B400] =	vst v63  }
0x1e4: {  	v3 =	vld [tilespmem:s22+$0xFFFFFD70];
	_ =	sdelay $0x4  }
0x1e5: {  	v22 =	vperm.xlane v3, v0;
	_ =	sdelay $0x1  }
0x1e6: {  	v3 =	vperm.xlane v3, v2;
	v4 =	vadd.s32 v1, v22;
	_ =	sdelay $0x1  }
0x1e7: {  	v3 =	vadd.s32 v1, v3;
	_ =	sdelay $0x1  }
0x1e8: {  	s7 =	simm.s32 $0x9400  }
0x1e9: {  	[tilespmem:s7], [sflag:$0x1] =	stream.indirect_vreg.gather [hbm4b:s2+s4], $0x80, v4, vm0, $0xb8;
	[tilespmem:$0x1B400] =	vst v63  }
0x1ea: {  	s6 =	simm.s32 $0x9C00  }
0x1eb: {  	[tilespmem:s6], [sflag:$0x1] =	stream.indirect_vreg.gather [hbm4b:s2+s4], $0x80, v3, vm0, $0xb8;
	[tilespmem:$0x1B400] =	vst v63  }
0x1ec: {  	v3 =	vld [tilespmem:s22+$0xFFFFFD80];
	_ =	sdelay $0x4  }
0x1ed: {  	v23 =	vperm.xlane v3, v0;
	_ =	sdelay $0x1  }
0x1ee: {  	v3 =	vperm.xlane v3, v2;
	v4 =	vadd.s32 v1, v23;
	_ =	sdelay $0x1  }
0x1ef: {  	v3 =	vadd.s32 v1, v3;
	_ =	sdelay $0x1  }
0x1f0: {  	s7 =	simm.s32 $0xA400  }
0x1f1: {  	[tilespmem:s7], [sflag:$0x1] =	stream.indirect_vreg.gather [hbm4b:s2+s4], $0x80, v4, vm0, $0xb8;
	[tilespmem:$0x1B400] =	vst v63  }
0x1f2: {  	s6 =	simm.s32 $0xAC00  }
0x1f3: {  	[tilespmem:s6], [sflag:$0x1] =	stream.indirect_vreg.gather [hbm4b:s2+s4], $0x80, v3, vm0, $0xb8;
	[tilespmem:$0x1B400] =	vst v63  }
0x1f4: {  	v3 =	vld [tilespmem:s22+$0xFFFFFD90];
	_ =	sdelay $0x4  }
0x1f5: {  	v24 =	vperm.xlane v3, v0;
	_ =	sdelay $0x1  }
0x1f6: {  	v3 =	vperm.xlane v3, v2;
	v4 =	vadd.s32 v1, v24;
	_ =	sdelay $0x1  }
0x1f7: {  	v3 =	vadd.s32 v1, v3;
	_ =	sdelay $0x1  }
0x1f8: {  	s7 =	simm.s32 $0x3800  }
0x1f9: {  	[tilespmem:s7], [sflag:$0x1] =	stream.indirect_vreg.gather [hbm4b:s2+s4], $0x80, v4, vm0, $0xb8;
	[tilespmem:$0x1B400] =	vst v63  }
0x1fa: {  	s6 =	simm.s32 $0x4000  }
0x1fb: {  	[tilespmem:s6], [sflag:$0x1] =	stream.indirect_vreg.gather [hbm4b:s2+s4], $0x80, v3, vm0, $0xb8;
	[tilespmem:$0x1B400] =	vst v63  }
0x1fc: {  	v3 =	vld [tilespmem:s22+$0xFFFFFDA0];
	_ =	sdelay $0x4  }
0x1fd: {  	v25 =	vperm.xlane v3, v0;
	_ =	sdelay $0x1  }
0x1fe: {  	v3 =	vperm.xlane v3, v2;
	v4 =	vadd.s32 v1, v25;
	_ =	sdelay $0x1  }
0x1ff: {  	v3 =	vadd.s32 v1, v3;
	_ =	sdelay $0x1  }
0x200: {  	s7 =	simm.s32 $0x4800  }
0x201: {  	[tilespmem:s7], [sflag:$0x1] =	stream.indirect_vreg.gather [hbm4b:s2+s4], $0x80, v4, vm0, $0xb8;
	[tilespmem:$0x1B400] =	vst v63  }
0x202: {  	s6 =	simm.s32 $0x5000  }
0x203: {  	[tilespmem:s6], [sflag:$0x1] =	stream.indirect_vreg.gather [hbm4b:s2+s4], $0x80, v3, vm0, $0xb8;
	[tilespmem:$0x1B400] =	vst v63  }
0x204: {  	v3 =	vld [tilespmem:s22+$0xFFFFFDB0];
	_ =	sdelay $0x4  }
0x205: {  	v26 =	vperm.xlane v3, v0;
	_ =	sdelay $0x1  }
0x206: {  	v3 =	vperm.xlane v3, v2;
	v4 =	vadd.s32 v1, v26;
	_ =	sdelay $0x1  }
0x207: {  	v3 =	vadd.s32 v1, v3;
	_ =	sdelay $0x1  }
0x208: {  	s7 =	simm.s32 $0x5800  }
0x209: {  	[tilespmem:s7], [sflag:$0x1] =	stream.indirect_vreg.gather [hbm4b:s2+s4], $0x80, v4, vm0, $0xb8;
	[tilespmem:$0x1B400] =	vst v63  }
0x20a: {  	s6 =	simm.s32 $0x6000  }
0x20b: {  	[tilespmem:s6], [sflag:$0x1] =	stream.indirect_vreg.gather [hbm4b:s2+s4], $0x80, v3, vm0, $0xb8;
	[tilespmem:$0x1B400] =	vst v63  }
0x20c: {  	v3 =	vld [tilespmem:s22+$0xFFFFFDC0];
	_ =	sdelay $0x4  }
0x20d: {  	v27 =	vperm.xlane v3, v0;
	_ =	sdelay $0x1  }
0x20e: {  	v3 =	vperm.xlane v3, v2;
	v4 =	vadd.s32 v1, v27;
	_ =	sdelay $0x1  }
0x20f: {  	v3 =	vadd.s32 v1, v3;
	_ =	sdelay $0x2  }
0x210: {  	[tilespmem:s15], [sflag:$0x1] =	stream.indirect_vreg.gather [hbm4b:s2+s4], $0x80, v4, vm0, $0xb8;
	[tilespmem:$0x1B400] =	vst v63  }
0x211: {  	s7 =	simm.s32 $0x7000  }
0x212: {  	[tilespmem:s7], [sflag:$0x1] =	stream.indirect_vreg.gather [hbm4b:s2+s4], $0x80, v3, vm0, $0xb8;
	[tilespmem:$0x1B400] =	vst v63  }
0x213: {  	v3 =	vld [tilespmem:s22+$0xFFFFFDD0];
	_ =	sdelay $0x4  }
0x214: {  	v28 =	vperm.xlane v3, v0;
	_ =	sdelay $0x1  }
0x215: {  	v3 =	vperm.xlane v3, v2;
	v4 =	vadd.s32 v1, v28;
	_ =	sdelay $0x1  }
0x216: {  	v3 =	vadd.s32 v1, v3;
	_ =	sdelay $0x1  }
0x217: {  	s6 =	simm.s32 $0x7800  }
0x218: {  	[tilespmem:s6], [sflag:$0x1] =	stream.indirect_vreg.gather [hbm4b:s2+s4], $0x80, v4, vm0, $0xb8;
	[tilespmem:$0x1B400] =	vst v63  }
0x219: {  	s7 =	simm.s32 $0x8000  }
0x21a: {  	[tilespmem:s7], [sflag:$0x1] =	stream.indirect_vreg.gather [hbm4b:s2+s4], $0x80, v3, vm0, $0xb8;
	[tilespmem:$0x1B400] =	vst v63  }
0x21b: {  	v3 =	vld [tilespmem:s22+$0xFFFFFDE0];
	_ =	sdelay $0x4  }
0x21c: {  	v29 =	vperm.xlane v3, v0;
	_ =	sdelay $0x1  }
0x21d: {  	v3 =	vperm.xlane v3, v2;
	v4 =	vadd.s32 v1, v29;
	_ =	sdelay $0x1  }
0x21e: {  	v3 =	vadd.s32 v1, v3;
	_ =	sdelay $0x1  }
0x21f: {  	s6 =	simm.s32 $0x8800  }
0x220: {  	[tilespmem:s6], [sflag:$0x1] =	stream.indirect_vreg.gather [hbm4b:s2+s4], $0x80, v4, vm0, $0xb8;
	[tilespmem:$0x1B400] =	vst v63  }
0x221: {  	s7 =	simm.s32 $0x9000  }
0x222: {  	[tilespmem:s7], [sflag:$0x1] =	stream.indirect_vreg.gather [hbm4b:s2+s4], $0x80, v3, vm0, $0xb8;
	[tilespmem:$0x1B400] =	vst v63  }
0x223: {  	v3 =	vld [tilespmem:s22+$0xFFFFFDF0];
	_ =	sdelay $0x4  }
0x224: {  	v30 =	vperm.xlane v3, v0;
	_ =	sdelay $0x1  }
0x225: {  	v3 =	vperm.xlane v3, v2;
	v4 =	vadd.s32 v1, v30;
	_ =	sdelay $0x1  }
0x226: {  	v3 =	vadd.s32 v1, v3;
	_ =	sdelay $0x1  }
0x227: {  	s6 =	simm.s32 $0x9800  }
0x228: {  	[tilespmem:s6], [sflag:$0x1] =	stream.indirect_vreg.gather [hbm4b:s2+s4], $0x80, v4, vm0, $0xb8;
	[tilespmem:$0x1B400] =	vst v63  }
0x229: {  	s7 =	simm.s32 $0xA000  }
0x22a: {  	[tilespmem:s7], [sflag:$0x1] =	stream.indirect_vreg.gather [hbm4b:s2+s4], $0x80, v3, vm0, $0xb8;
	[tilespmem:$0x1B400] =	vst v63  }
0x22b: {  	v3 =	vld [tilespmem:s22+$0xFFFFFE00];
	_ =	sdelay $0x4  }
0x22c: {  	v31 =	vperm.xlane v3, v0;
	_ =	sdelay $0x1  }
0x22d: {  	v3 =	vperm.xlane v3, v2;
	v4 =	vadd.s32 v1, v31;
	_ =	sdelay $0x1  }
0x22e: {  	s6 =	smulhi.u32 $0x4EC4EC4F, s14;
	v3 =	vadd.s32 v1, v3;
	_ =	sdelay $0x1  }
0x22f: {  	s11 =	sshrl.u32 s6, $0x2;
	s6 =	simm.s32 $0xA800  }
0x230: {  	[tilespmem:s6], [sflag:$0x1] =	stream.indirect_vreg.gather [hbm4b:s2+s4], $0x80, v4, vm0, $0xb8;
	[tilespmem:$0x1B400] =	vst v63  }
0x231: {  	s7 =	simm.s32 $0xB000;
	s11 =	smul.u32 $0x61800, s11  }
0x232: {  	[tilespmem:s7], [sflag:$0x1] =	stream.indirect_vreg.gather [hbm4b:s2+s4], $0x80, v3, vm0, $0xb8;
	[tilespmem:$0x1B400] =	vst v63  }
0x233: {  	s11 =	sadd.s32 s11, s30;
	_ =	swait.ge [sflag:s23], $0x8000  }
0x234: {  	s11 =	sshrl.u32 s11, $0x3;
	[sflag:s23] =	ssyncset.done $0x0  }
0x235: {  	s11 =	sadd.s32 s3, s11;
	[sflag:s23] =	ssyncadd.s32 $0xFFFF8000  }
0x236: {  	[hbm4b:s11+s24] =	stream.strided.scatter [tilespmem:s25], [sflag:$0x4], $0x8000, s15, s24, $0x38;
	[tilespmem:$0x1B400] =	vst v63  }
0x237: {  	_ =	swait.ge [sflag:s21], $0x8000  }
0x238: {  	[sflag:s21] =	ssyncset.done $0x0  }
0x239: {  	[sflag:s21] =	ssyncadd.s32 $0xFFFF8000  }
0x23a: {  	v3 =	vld [tilespmem:s22+$0xFFFFFE10];
	_ =	sdelay $0x4  }
0x23b: {  	v32 =	vperm.xlane v3, v0;
	_ =	sdelay $0x1  }
0x23c: {  	v3 =	vperm.xlane v3, v2;
	v4 =	vadd.s32 v1, v32;
	_ =	sdelay $0x1  }
0x23d: {  	v3 =	vadd.s32 v1, v3;
	_ =	sdelay $0x1  }
0x23e: {  	s25 =	simm.s32 $0xB400  }
0x23f: {  	[tilespmem:s25], [sflag:$0x2] =	stream.indirect_vreg.gather [hbm4b:s2+s4], $0x80, v4, vm0, $0xb8;
	[tilespmem:$0x1B400] =	vst v63  }
0x240: {  	s6 =	simm.s32 $0xBC00  }
0x241: {  	[tilespmem:s6], [sflag:$0x2] =	stream.indirect_vreg.gather [hbm4b:s2+s4], $0x80, v3, vm0, $0xb8;
	[tilespmem:$0x1B400] =	vst v63  }
0x242: {  	v3 =	vld [tilespmem:s22+$0xFFFFFE20];
	_ =	sdelay $0x4  }
0x243: {  	v33 =	vperm.xlane v3, v0;
	_ =	sdelay $0x1  }
0x244: {  	v3 =	vperm.xlane v3, v2;
	v4 =	vadd.s32 v1, v33;
	_ =	sdelay $0x1  }
0x245: {  	v3 =	vadd.s32 v1, v3;
	_ =	sdelay $0x1  }
0x246: {  	s7 =	simm.s32 $0xC400  }
0x247: {  	[tilespmem:s7], [sflag:$0x2] =	stream.indirect_vreg.gather [hbm4b:s2+s4], $0x80, v4, vm0, $0xb8;
	[tilespmem:$0x1B400] =	vst v63  }
0x248: {  	s11 =	simm.s32 $0xCC00  }
0x249: {  	[tilespmem:s11], [sflag:$0x2] =	stream.indirect_vreg.gather [hbm4b:s2+s4], $0x80, v3, vm0, $0xb8;
	[tilespmem:$0x1B400] =	vst v63  }
0x24a: {  	v3 =	vld [tilespmem:s22+$0xFFFFFE30];
	_ =	sdelay $0x4  }
0x24b: {  	v34 =	vperm.xlane v3, v0;
	_ =	sdelay $0x1  }
0x24c: {  	v3 =	vperm.xlane v3, v2;
	v4 =	vadd.s32 v1, v34;
	_ =	sdelay $0x1  }
0x24d: {  	v3 =	vadd.s32 v1, v3;
	_ =	sdelay $0x2  }
0x24e: {  	[tilespmem:s13], [sflag:$0x2] =	stream.indirect_vreg.gather [hbm4b:s2+s4], $0x80, v4, vm0, $0xb8;
	[tilespmem:$0x1B400] =	vst v63  }
0x24f: {  	s11 =	simm.s32 $0xDC00  }
0x250: {  	[tilespmem:s11], [sflag:$0x2] =	stream.indirect_vreg.gather [hbm4b:s2+s4], $0x80, v3, vm0, $0xb8;
	[tilespmem:$0x1B400] =	vst v63  }
0x251: {  	v3 =	vld [tilespmem:s22+$0xFFFFFE40];
	_ =	sdelay $0x4  }
0x252: {  	v35 =	vperm.xlane v3, v0;
	_ =	sdelay $0x1  }
0x253: {  	v3 =	vperm.xlane v3, v2;
	v4 =	vadd.s32 v1, v35;
	_ =	sdelay $0x1  }
0x254: {  	v3 =	vadd.s32 v1, v3;
	_ =	sdelay $0x1  }
0x255: {  	s11 =	simm.s32 $0xE400  }
0x256: {  	[tilespmem:s11], [sflag:$0x2] =	stream.indirect_vreg.gather [hbm4b:s2+s4], $0x80, v4, vm0, $0xb8;
	[tilespmem:$0x1B400] =	vst v63  }
0x257: {  	_ = 	snop  }
0x258: {  	[tilespmem:s29], [sflag:$0x2] =	stream.indirect_vreg.gather [hbm4b:s2+s4], $0x80, v3, vm0, $0xb8;
	[tilespmem:$0x1B400] =	vst v63  }
0x259: {  	v3 =	vld [tilespmem:s22+$0xFFFFFE50];
	_ =	sdelay $0x4  }
0x25a: {  	v36 =	vperm.xlane v3, v0;
	_ =	sdelay $0x1  }
0x25b: {  	v3 =	vperm.xlane v3, v2;
	v4 =	vadd.s32 v1, v36;
	_ =	sdelay $0x1  }
0x25c: {  	v3 =	vadd.s32 v1, v3;
	_ =	sdelay $0x1  }
0x25d: {  	s11 =	simm.s32 $0xF400  }
0x25e: {  	[tilespmem:s11], [sflag:$0x2] =	stream.indirect_vreg.gather [hbm4b:s2+s4], $0x80, v4, vm0, $0xb8;
	[tilespmem:$0x1B400] =	vst v63  }
0x25f: {  	s11 =	simm.s32 $0xFC00  }
0x260: {  	[tilespmem:s11], [sflag:$0x2] =	stream.indirect_vreg.gather [hbm4b:s2+s4], $0x80, v3, vm0, $0xb8;
	[tilespmem:$0x1B400] =	vst v63  }
0x261: {  	v3 =	vld [tilespmem:s22+$0xFFFFFE60];
	_ =	sdelay $0x4  }
0x262: {  	v37 =	vperm.xlane v3, v0;
	_ =	sdelay $0x1  }
0x263: {  	v3 =	vperm.xlane v3, v2;
	v4 =	vadd.s32 v1, v37;
	_ =	sdelay $0x1  }
0x264: {  	v3 =	vadd.s32 v1, v3;
	_ =	sdelay $0x1  }
0x265: {  	s11 =	simm.s32 $0x10400  }
0x266: {  	[tilespmem:s11], [sflag:$0x2] =	stream.indirect_vreg.gather [hbm4b:s2+s4], $0x80, v4, vm0, $0xb8;
	[tilespmem:$0x1B400] =	vst v63  }
0x267: {  	s11 =	simm.s32 $0x10C00  }
0x268: {  	[tilespmem:s11], [sflag:$0x2] =	stream.indirect_vreg.gather [hbm4b:s2+s4], $0x80, v3, vm0, $0xb8;
	[tilespmem:$0x1B400] =	vst v63  }
0x269: {  	v3 =	vld [tilespmem:s22+$0xFFFFFE70];
	_ =	sdelay $0x4  }
0x26a: {  	v38 =	vperm.xlane v3, v0;
	_ =	sdelay $0x1  }
0x26b: {  	v3 =	vperm.xlane v3, v2;
	v4 =	vadd.s32 v1, v38;
	_ =	sdelay $0x1  }
0x26c: {  	v3 =	vadd.s32 v1, v3;
	_ =	sdelay $0x1  }
0x26d: {  	s11 =	simm.s32 $0x11400  }
0x26e: {  	[tilespmem:s11], [sflag:$0x2] =	stream.indirect_vreg.gather [hbm4b:s2+s4], $0x80, v4, vm0, $0xb8;
	[tilespmem:$0x1B400] =	vst v63  }
0x26f: {  	_ = 	snop  }
0x270: {  	[tilespmem:s12], [sflag:$0x2] =	stream.indirect_vreg.gather [hbm4b:s2+s4], $0x80, v3, vm0, $0xb8;
	[tilespmem:$0x1B400] =	vst v63  }
0x271: {  	v3 =	vld [tilespmem:s22+$0xFFFFFE80];
	_ =	sdelay $0x4  }
0x272: {  	v39 =	vperm.xlane v3, v0;
	_ =	sdelay $0x1  }
0x273: {  	v3 =	vperm.xlane v3, v2;
	v4 =	vadd.s32 v1, v39;
	_ =	sdelay $0x1  }
0x274: {  	v3 =	vadd.s32 v1, v3;
	_ =	sdelay $0x1  }
0x275: {  	s11 =	simm.s32 $0x12400  }
0x276: {  	[tilespmem:s11], [sflag:$0x2] =	stream.indirect_vreg.gather [hbm4b:s2+s4], $0x80, v4, vm0, $0xb8;
	[tilespmem:$0x1B400] =	vst v63  }
0x277: {  	_ = 	snop  }
0x278: {  	[tilespmem:s17], [sflag:$0x2] =	stream.indirect_vreg.gather [hbm4b:s2+s4], $0x80, v3, vm0, $0xb8;
	[tilespmem:$0x1B400] =	vst v63  }
0x279: {  	v3 =	vld [tilespmem:s22+$0xFFFFFE90];
	_ =	sdelay $0x4  }
0x27a: {  	v40 =	vperm.xlane v3, v0;
	_ =	sdelay $0x1  }
0x27b: {  	v3 =	vperm.xlane v3, v2;
	v4 =	vadd.s32 v1, v40;
	_ =	sdelay $0x1  }
0x27c: {  	v3 =	vadd.s32 v1, v3;
	_ =	sdelay $0x2  }
0x27d: {  	[tilespmem:s18], [sflag:$0x2] =	stream.indirect_vreg.gather [hbm4b:s2+s4], $0x80, v4, vm0, $0xb8;
	[tilespmem:$0x1B400] =	vst v63  }
0x27e: {  	s11 =	simm.s32 $0xC000  }
0x27f: {  	[tilespmem:s11], [sflag:$0x2] =	stream.indirect_vreg.gather [hbm4b:s2+s4], $0x80, v3, vm0, $0xb8;
	[tilespmem:$0x1B400] =	vst v63  }
0x280: {  	v3 =	vld [tilespmem:s22+$0xFFFFFEA0];
	_ =	sdelay $0x4  }
0x281: {  	v41 =	vperm.xlane v3, v0;
	_ =	sdelay $0x1  }
0x282: {  	v3 =	vperm.xlane v3, v2;
	v4 =	vadd.s32 v1, v41;
	_ =	sdelay $0x1  }
0x283: {  	v3 =	vadd.s32 v1, v3;
	_ =	sdelay $0x1  }
0x284: {  	s7 =	simm.s32 $0xC800  }
0x285: {  	[tilespmem:s7], [sflag:$0x2] =	stream.indirect_vreg.gather [hbm4b:s2+s4], $0x80, v4, vm0, $0xb8;
	[tilespmem:$0x1B400] =	vst v63  }
0x286: {  	s7 =	simm.s32 $0xD000  }
0x287: {  	[tilespmem:s7], [sflag:$0x2] =	stream.indirect_vreg.gather [hbm4b:s2+s4], $0x80, v3, vm0, $0xb8;
	[tilespmem:$0x1B400] =	vst v63  }
0x288: {  	v3 =	vld [tilespmem:s22+$0xFFFFFEB0];
	_ =	sdelay $0x4  }
0x289: {  	v42 =	vperm.xlane v3, v0;
	_ =	sdelay $0x1  }
0x28a: {  	v3 =	vperm.xlane v3, v2;
	v4 =	vadd.s32 v1, v42;
	_ =	sdelay $0x1  }
0x28b: {  	v3 =	vadd.s32 v1, v3;
	_ =	sdelay $0x1  }
0x28c: {  	s7 =	simm.s32 $0xD800  }
0x28d: {  	[tilespmem:s7], [sflag:$0x2] =	stream.indirect_vreg.gather [hbm4b:s2+s4], $0x80, v4, vm0, $0xb8;
	[tilespmem:$0x1B400] =	vst v63  }
0x28e: {  	s7 =	simm.s32 $0xE000  }
0x28f: {  	[tilespmem:s7], [sflag:$0x2] =	stream.indirect_vreg.gather [hbm4b:s2+s4], $0x80, v3, vm0, $0xb8;
	[tilespmem:$0x1B400] =	vst v63  }
0x290: {  	v3 =	vld [tilespmem:s22+$0xFFFFFEC0];
	_ =	sdelay $0x4  }
0x291: {  	v43 =	vperm.xlane v3, v0;
	_ =	sdelay $0x1  }
0x292: {  	v3 =	vperm.xlane v3, v2;
	v4 =	vadd.s32 v1, v43;
	_ =	sdelay $0x1  }
0x293: {  	v3 =	vadd.s32 v1, v3;
	_ =	sdelay $0x1  }
0x294: {  	s7 =	simm.s32 $0xE800  }
0x295: {  	[tilespmem:s7], [sflag:$0x2] =	stream.indirect_vreg.gather [hbm4b:s2+s4], $0x80, v4, vm0, $0xb8;
	[tilespmem:$0x1B400] =	vst v63  }
0x296: {  	s7 =	simm.s32 $0xF000  }
0x297: {  	[tilespmem:s7], [sflag:$0x2] =	stream.indirect_vreg.gather [hbm4b:s2+s4], $0x80, v3, vm0, $0xb8;
	[tilespmem:$0x1B400] =	vst v63  }
0x298: {  	v3 =	vld [tilespmem:s22+$0xFFFFFED0];
	_ =	sdelay $0x4  }
0x299: {  	v44 =	vperm.xlane v3, v0;
	_ =	sdelay $0x1  }
0x29a: {  	v3 =	vperm.xlane v3, v2;
	v4 =	vadd.s32 v1, v44;
	_ =	sdelay $0x1  }
0x29b: {  	v3 =	vadd.s32 v1, v3;
	_ =	sdelay $0x1  }
0x29c: {  	s7 =	simm.s32 $0xF800  }
0x29d: {  	[tilespmem:s7], [sflag:$0x2] =	stream.indirect_vreg.gather [hbm4b:s2+s4], $0x80, v4, vm0, $0xb8;
	[tilespmem:$0x1B400] =	vst v63  }
0x29e: {  	s7 =	simm.s32 $0x10000  }
0x29f: {  	[tilespmem:s7], [sflag:$0x2] =	stream.indirect_vreg.gather [hbm4b:s2+s4], $0x80, v3, vm0, $0xb8;
	[tilespmem:$0x1B400] =	vst v63  }
0x2a0: {  	v3 =	vld [tilespmem:s22+$0xFFFFFEE0];
	_ =	sdelay $0x4  }
0x2a1: {  	v45 =	vperm.xlane v3, v0;
	_ =	sdelay $0x1  }
0x2a2: {  	v3 =	vperm.xlane v3, v2;
	v4 =	vadd.s32 v1, v45;
	_ =	sdelay $0x1  }
0x2a3: {  	v3 =	vadd.s32 v1, v3;
	_ =	sdelay $0x1  }
0x2a4: {  	s7 =	simm.s32 $0x10800  }
0x2a5: {  	[tilespmem:s7], [sflag:$0x2] =	stream.indirect_vreg.gather [hbm4b:s2+s4], $0x80, v4, vm0, $0xb8;
	[tilespmem:$0x1B400] =	vst v63  }
0x2a6: {  	s7 =	simm.s32 $0x11000  }
0x2a7: {  	[tilespmem:s7], [sflag:$0x2] =	stream.indirect_vreg.gather [hbm4b:s2+s4], $0x80, v3, vm0, $0xb8;
	[tilespmem:$0x1B400] =	vst v63  }
0x2a8: {  	v3 =	vld [tilespmem:s22+$0xFFFFFEF0];
	_ =	sdelay $0x4  }
0x2a9: {  	v46 =	vperm.xlane v3, v0;
	_ =	sdelay $0x1  }
0x2aa: {  	v3 =	vperm.xlane v3, v2;
	v4 =	vadd.s32 v1, v46;
	_ =	sdelay $0x1  }
0x2ab: {  	v3 =	vadd.s32 v1, v3;
	_ =	sdelay $0x1  }
0x2ac: {  	s7 =	simm.s32 $0x11800  }
0x2ad: {  	[tilespmem:s7], [sflag:$0x2] =	stream.indirect_vreg.gather [hbm4b:s2+s4], $0x80, v4, vm0, $0xb8;
	[tilespmem:$0x1B400] =	vst v63  }
0x2ae: {  	s7 =	simm.s32 $0x12000  }
0x2af: {  	[tilespmem:s7], [sflag:$0x2] =	stream.indirect_vreg.gather [hbm4b:s2+s4], $0x80, v3, vm0, $0xb8;
	[tilespmem:$0x1B400] =	vst v63  }
0x2b0: {  	v3 =	vld [tilespmem:s22+$0xFFFFFF00];
	_ =	sdelay $0x4  }
0x2b1: {  	v47 =	vperm.xlane v3, v0;
	_ =	sdelay $0x1  }
0x2b2: {  	v3 =	vperm.xlane v3, v2;
	v4 =	vadd.s32 v1, v47;
	_ =	sdelay $0x1  }
0x2b3: {  	s7 =	smulhi.u32 $0x4EC4EC4F, s10;
	v3 =	vadd.s32 v1, v3;
	_ =	sdelay $0x1  }
0x2b4: {  	s11 =	sshrl.u32 s7, $0x2;
	s7 =	simm.s32 $0x12800  }
0x2b5: {  	[tilespmem:s7], [sflag:$0x2] =	stream.indirect_vreg.gather [hbm4b:s2+s4], $0x80, v4, vm0, $0xb8;
	[tilespmem:$0x1B400] =	vst v63  }
0x2b6: {  	s11 =	smul.u32 $0x61800, s11;
	s7 =	simm.s32 $0x13000  }
0x2b7: {  	[tilespmem:s7], [sflag:$0x2] =	stream.indirect_vreg.gather [hbm4b:s2+s4], $0x80, v3, vm0, $0xb8;
	[tilespmem:$0x1B400] =	vst v63  }
0x2b8: {  	s11 =	sadd.s32 s11, s0;
	_ =	swait.ge [sflag:s5], $0x8000  }
0x2b9: {  	s11 =	sshrl.u32 s11, $0x3;
	[sflag:s5] =	ssyncset.done $0x0  }
0x2ba: {  	s11 =	sadd.s32 s3, s11;
	[sflag:s5] =	ssyncadd.s32 $0xFFFF8000  }
0x2bb: {  	[hbm4b:s11+s24] =	stream.strided.scatter [tilespmem:s25], [sflag:$0x5], $0x8000, s15, s24, $0x38;
	[tilespmem:$0x1B400] =	vst v63  }
0x2bc: {  	_ =	swait.ge [sflag:s1], $0x8000  }
0x2bd: {  	[sflag:s1] =	ssyncset.done $0x0  }
0x2be: {  	[sflag:s1] =	ssyncadd.s32 $0xFFFF8000  }
0x2bf: {  	v3 =	vld [tilespmem:s22+$0xFFFFFF10];
	_ =	sdelay $0x4  }
0x2c0: {  	v48 =	vperm.xlane v3, v0;
	_ =	sdelay $0x1  }
0x2c1: {  	v3 =	vperm.xlane v3, v2;
	v4 =	vadd.s32 v1, v48;
	_ =	sdelay $0x1  }
0x2c2: {  	v3 =	vadd.s32 v1, v3;
	_ =	sdelay $0x2  }
0x2c3: {  	[tilespmem:s31], [sflag:$0x3] =	stream.indirect_vreg.gather [hbm4b:s2+s4], $0x80, v4, vm0, $0xb8;
	[tilespmem:$0x1B400] =	vst v63  }
0x2c4: {  	s31 =	simm.s32 $0x13C00  }
0x2c5: {  	[tilespmem:s31], [sflag:$0x3] =	stream.indirect_vreg.gather [hbm4b:s2+s4], $0x80, v3, vm0, $0xb8;
	[tilespmem:$0x1B400] =	vst v63  }
0x2c6: {  	v3 =	vld [tilespmem:s22+$0xFFFFFF20];
	_ =	sdelay $0x4  }
0x2c7: {  	v49 =	vperm.xlane v3, v0;
	_ =	sdelay $0x1  }
0x2c8: {  	v3 =	vperm.xlane v3, v2;
	v4 =	vadd.s32 v1, v49;
	_ =	sdelay $0x1  }
0x2c9: {  	v3 =	vadd.s32 v1, v3;
	_ =	sdelay $0x1  }
0x2ca: {  	s31 =	simm.s32 $0x14400  }
0x2cb: {  	[tilespmem:s31], [sflag:$0x3] =	stream.indirect_vreg.gather [hbm4b:s2+s4], $0x80, v4, vm0, $0xb8;
	[tilespmem:$0x1B400] =	vst v63  }
0x2cc: {  	s31 =	simm.s32 $0x14C00  }
0x2cd: {  	[tilespmem:s31], [sflag:$0x3] =	stream.indirect_vreg.gather [hbm4b:s2+s4], $0x80, v3, vm0, $0xb8;
	[tilespmem:$0x1B400] =	vst v63  }
0x2ce: {  	v3 =	vld [tilespmem:s22+$0xFFFFFF30];
	_ =	sdelay $0x4  }
0x2cf: {  	v50 =	vperm.xlane v3, v0;
	_ =	sdelay $0x1  }
0x2d0: {  	v3 =	vperm.xlane v3, v2;
	v4 =	vadd.s32 v1, v50;
	_ =	sdelay $0x1  }
0x2d1: {  	v3 =	vadd.s32 v1, v3;
	_ =	sdelay $0x1  }
0x2d2: {  	s31 =	simm.s32 $0x15400  }
0x2d3: {  	[tilespmem:s31], [sflag:$0x3] =	stream.indirect_vreg.gather [hbm4b:s2+s4], $0x80, v4, vm0, $0xb8;
	[tilespmem:$0x1B400] =	vst v63  }
0x2d4: {  	s31 =	simm.s32 $0x15C00  }
0x2d5: {  	[tilespmem:s31], [sflag:$0x3] =	stream.indirect_vreg.gather [hbm4b:s2+s4], $0x80, v3, vm0, $0xb8;
	[tilespmem:$0x1B400] =	vst v63  }
0x2d6: {  	v3 =	vld [tilespmem:s22+$0xFFFFFF40];
	_ =	sdelay $0x4  }
0x2d7: {  	v51 =	vperm.xlane v3, v0;
	_ =	sdelay $0x1  }
0x2d8: {  	v3 =	vperm.xlane v3, v2;
	v4 =	vadd.s32 v1, v51;
	_ =	sdelay $0x1  }
0x2d9: {  	v3 =	vadd.s32 v1, v3;
	_ =	sdelay $0x1  }
0x2da: {  	s31 =	simm.s32 $0x16400  }
0x2db: {  	[tilespmem:s31], [sflag:$0x3] =	stream.indirect_vreg.gather [hbm4b:s2+s4], $0x80, v4, vm0, $0xb8;
	[tilespmem:$0x1B400] =	vst v63  }
0x2dc: {  	s31 =	simm.s32 $0x16C00  }
0x2dd: {  	[tilespmem:s31], [sflag:$0x3] =	stream.indirect_vreg.gather [hbm4b:s2+s4], $0x80, v3, vm0, $0xb8;
	[tilespmem:$0x1B400] =	vst v63  }
0x2de: {  	v3 =	vld [tilespmem:s22+$0xFFFFFF50];
	_ =	sdelay $0x4  }
0x2df: {  	v52 =	vperm.xlane v3, v0;
	_ =	sdelay $0x1  }
0x2e0: {  	v3 =	vperm.xlane v3, v2;
	v4 =	vadd.s32 v1, v52;
	_ =	sdelay $0x1  }
0x2e1: {  	v3 =	vadd.s32 v1, v3;
	_ =	sdelay $0x1  }
0x2e2: {  	s31 =	simm.s32 $0x17400  }
0x2e3: {  	[tilespmem:s31], [sflag:$0x3] =	stream.indirect_vreg.gather [hbm4b:s2+s4], $0x80, v4, vm0, $0xb8;
	[tilespmem:$0x1B400] =	vst v63  }
0x2e4: {  	s31 =	simm.s32 $0x17C00  }
0x2e5: {  	[tilespmem:s31], [sflag:$0x3] =	stream.indirect_vreg.gather [hbm4b:s2+s4], $0x80, v3, vm0, $0xb8;
	[tilespmem:$0x1B400] =	vst v63  }
0x2e6: {  	v3 =	vld [tilespmem:s22+$0xFFFFFF60];
	_ =	sdelay $0x4  }
0x2e7: {  	v53 =	vperm.xlane v3, v0;
	_ =	sdelay $0x1  }
0x2e8: {  	v3 =	vperm.xlane v3, v2;
	v4 =	vadd.s32 v1, v53;
	_ =	sdelay $0x1  }
0x2e9: {  	v3 =	vadd.s32 v1, v3;
	_ =	sdelay $0x1  }
0x2ea: {  	s31 =	simm.s32 $0x18400  }
0x2eb: {  	[tilespmem:s31], [sflag:$0x3] =	stream.indirect_vreg.gather [hbm4b:s2+s4], $0x80, v4, vm0, $0xb8;
	[tilespmem:$0x1B400] =	vst v63  }
0x2ec: {  	s31 =	simm.s32 $0x18C00  }
0x2ed: {  	[tilespmem:s31], [sflag:$0x3] =	stream.indirect_vreg.gather [hbm4b:s2+s4], $0x80, v3, vm0, $0xb8;
	[tilespmem:$0x1B400] =	vst v63  }
0x2ee: {  	v3 =	vld [tilespmem:s22+$0xFFFFFF70];
	_ =	sdelay $0x4  }
0x2ef: {  	v54 =	vperm.xlane v3, v0;
	_ =	sdelay $0x1  }
0x2f0: {  	v3 =	vperm.xlane v3, v2;
	v4 =	vadd.s32 v1, v54;
	_ =	sdelay $0x1  }
0x2f1: {  	v3 =	vadd.s32 v1, v3;
	_ =	sdelay $0x1  }
0x2f2: {  	s31 =	simm.s32 $0x19400  }
0x2f3: {  	[tilespmem:s31], [sflag:$0x3] =	stream.indirect_vreg.gather [hbm4b:s2+s4], $0x80, v4, vm0, $0xb8;
	[tilespmem:$0x1B400] =	vst v63  }
0x2f4: {  	s31 =	simm.s32 $0x19C00  }
0x2f5: {  	[tilespmem:s31], [sflag:$0x3] =	stream.indirect_vreg.gather [hbm4b:s2+s4], $0x80, v3, vm0, $0xb8;
	[tilespmem:$0x1B400] =	vst v63  }
0x2f6: {  	v3 =	vld [tilespmem:s22+$0xFFFFFF80];
	_ =	sdelay $0x4  }
0x2f7: {  	v55 =	vperm.xlane v3, v0;
	_ =	sdelay $0x1  }
0x2f8: {  	v3 =	vperm.xlane v3, v2;
	v4 =	vadd.s32 v1, v55;
	_ =	sdelay $0x1  }
0x2f9: {  	v3 =	vadd.s32 v1, v3;
	_ =	sdelay $0x1  }
0x2fa: {  	s31 =	simm.s32 $0x1A400  }
0x2fb: {  	[tilespmem:s31], [sflag:$0x3] =	stream.indirect_vreg.gather [hbm4b:s2+s4], $0x80, v4, vm0, $0xb8;
	[tilespmem:$0x1B400] =	vst v63  }
0x2fc: {  	s31 =	simm.s32 $0x1AC00  }
0x2fd: {  	[tilespmem:s31], [sflag:$0x3] =	stream.indirect_vreg.gather [hbm4b:s2+s4], $0x80, v3, vm0, $0xb8;
	[tilespmem:$0x1B400] =	vst v63  }
0x2fe: {  	v3 =	vld [tilespmem:s22+$0xFFFFFF90];
	_ =	sdelay $0x4  }
0x2ff: {  	v56 =	vperm.xlane v3, v0;
	_ =	sdelay $0x1  }
0x300: {  	v3 =	vperm.xlane v3, v2;
	v4 =	vadd.s32 v1, v56;
	_ =	sdelay $0x1  }
0x301: {  	v3 =	vadd.s32 v1, v3;
	_ =	sdelay $0x1  }
0x302: {  	s31 =	simm.s32 $0x13800  }
0x303: {  	[tilespmem:s31], [sflag:$0x3] =	stream.indirect_vreg.gather [hbm4b:s2+s4], $0x80, v4, vm0, $0xb8;
	[tilespmem:$0x1B400] =	vst v63  }
0x304: {  	s31 =	simm.s32 $0x14000  }
0x305: {  	[tilespmem:s31], [sflag:$0x3] =	stream.indirect_vreg.gather [hbm4b:s2+s4], $0x80, v3, vm0, $0xb8;
	[tilespmem:$0x1B400] =	vst v63  }
0x306: {  	v3 =	vld [tilespmem:s22+$0xFFFFFFA0];
	_ =	sdelay $0x4  }
0x307: {  	v57 =	vperm.xlane v3, v0;
	_ =	sdelay $0x1  }
0x308: {  	v3 =	vperm.xlane v3, v2;
	v4 =	vadd.s32 v1, v57;
	_ =	sdelay $0x1  }
0x309: {  	v3 =	vadd.s32 v1, v3;
	_ =	sdelay $0x1  }
0x30a: {  	s31 =	simm.s32 $0x14800  }
0x30b: {  	[tilespmem:s31], [sflag:$0x3] =	stream.indirect_vreg.gather [hbm4b:s2+s4], $0x80, v4, vm0, $0xb8;
	[tilespmem:$0x1B400] =	vst v63  }
0x30c: {  	s31 =	simm.s32 $0x15000  }
0x30d: {  	[tilespmem:s31], [sflag:$0x3] =	stream.indirect_vreg.gather [hbm4b:s2+s4], $0x80, v3, vm0, $0xb8;
	[tilespmem:$0x1B400] =	vst v63  }
0x30e: {  	v3 =	vld [tilespmem:s22+$0xFFFFFFB0];
	_ =	sdelay $0x4  }
0x30f: {  	v58 =	vperm.xlane v3, v0;
	_ =	sdelay $0x1  }
0x310: {  	v3 =	vperm.xlane v3, v2;
	v4 =	vadd.s32 v1, v58;
	_ =	sdelay $0x1  }
0x311: {  	v3 =	vadd.s32 v1, v3;
	_ =	sdelay $0x1  }
0x312: {  	s31 =	simm.s32 $0x15800  }
0x313: {  	[tilespmem:s31], [sflag:$0x3] =	stream.indirect_vreg.gather [hbm4b:s2+s4], $0x80, v4, vm0, $0xb8;
	[tilespmem:$0x1B400] =	vst v63  }
0x314: {  	s31 =	simm.s32 $0x16000  }
0x315: {  	[tilespmem:s31], [sflag:$0x3] =	stream.indirect_vreg.gather [hbm4b:s2+s4], $0x80, v3, vm0, $0xb8;
	[tilespmem:$0x1B400] =	vst v63  }
0x316: {  	v3 =	vld [tilespmem:s22+$0xFFFFFFC0];
	_ =	sdelay $0x4  }
0x317: {  	v59 =	vperm.xlane v3, v0;
	_ =	sdelay $0x1  }
0x318: {  	v3 =	vperm.xlane v3, v2;
	v4 =	vadd.s32 v1, v59;
	_ =	sdelay $0x1  }
0x319: {  	v3 =	vadd.s32 v1, v3;
	_ =	sdelay $0x1  }
0x31a: {  	s31 =	simm.s32 $0x16800  }
0x31b: {  	[tilespmem:s31], [sflag:$0x3] =	stream.indirect_vreg.gather [hbm4b:s2+s4], $0x80, v4, vm0, $0xb8;
	[tilespmem:$0x1B400] =	vst v63  }
0x31c: {  	s31 =	simm.s32 $0x17000  }
0x31d: {  	[tilespmem:s31], [sflag:$0x3] =	stream.indirect_vreg.gather [hbm4b:s2+s4], $0x80, v3, vm0, $0xb8;
	[tilespmem:$0x1B400] =	vst v63  }
0x31e: {  	v3 =	vld [tilespmem:s22+$0xFFFFFFD0];
	_ =	sdelay $0x4  }
0x31f: {  	v60 =	vperm.xlane v3, v0;
	_ =	sdelay $0x1  }
0x320: {  	v3 =	vperm.xlane v3, v2;
	v4 =	vadd.s32 v1, v60;
	_ =	sdelay $0x1  }
0x321: {  	v3 =	vadd.s32 v1, v3;
	_ =	sdelay $0x1  }
0x322: {  	s31 =	simm.s32 $0x17800  }
0x323: {  	[tilespmem:s31], [sflag:$0x3] =	stream.indirect_vreg.gather [hbm4b:s2+s4], $0x80, v4, vm0, $0xb8;
	[tilespmem:$0x1B400] =	vst v63  }
0x324: {  	s31 =	simm.s32 $0x18000  }
0x325: {  	[tilespmem:s31], [sflag:$0x3] =	stream.indirect_vreg.gather [hbm4b:s2+s4], $0x80, v3, vm0, $0xb8;
	[tilespmem:$0x1B400] =	vst v63  }
0x326: {  	v3 =	vld [tilespmem:s22+$0xFFFFFFE0];
	_ =	sdelay $0x4  }
0x327: {  	v61 =	vperm.xlane v3, v0;
	_ =	sdelay $0x1  }
0x328: {  	v3 =	vperm.xlane v3, v2;
	v4 =	vadd.s32 v1, v61;
	_ =	sdelay $0x1  }
0x329: {  	v3 =	vadd.s32 v1, v3;
	_ =	sdelay $0x1  }
0x32a: {  	s31 =	simm.s32 $0x18800  }
0x32b: {  	[tilespmem:s31], [sflag:$0x3] =	stream.indirect_vreg.gather [hbm4b:s2+s4], $0x80, v4, vm0, $0xb8;
	[tilespmem:$0x1B400] =	vst v63  }
0x32c: {  	s31 =	simm.s32 $0x19000  }
0x32d: {  	[tilespmem:s31], [sflag:$0x3] =	stream.indirect_vreg.gather [hbm4b:s2+s4], $0x80, v3, vm0, $0xb8;
	[tilespmem:$0x1B400] =	vst v63  }
0x32e: {  	v3 =	vld [tilespmem:s22+$0xFFFFFFF0];
	_ =	sdelay $0x4  }
0x32f: {  	v62 =	vperm.xlane v3, v0;
	_ =	sdelay $0x1  }
0x330: {  	v3 =	vperm.xlane v3, v2;
	v4 =	vadd.s32 v1, v62;
	_ =	sdelay $0x1  }
0x331: {  	v3 =	vadd.s32 v1, v3;
	_ =	sdelay $0x1  }
0x332: {  	s31 =	simm.s32 $0x19800  }
0x333: {  	[tilespmem:s31], [sflag:$0x3] =	stream.indirect_vreg.gather [hbm4b:s2+s4], $0x80, v4, vm0, $0xb8;
	[tilespmem:$0x1B400] =	vst v63  }
0x334: {  	s31 =	simm.s32 $0x1A000  }
0x335: {  	[tilespmem:s31], [sflag:$0x3] =	stream.indirect_vreg.gather [hbm4b:s2+s4], $0x80, v3, vm0, $0xb8;
	[tilespmem:$0x1B400] =	vst v63  }
0x336: {  	v3 =	vld [tilespmem:s22+$0x0];
	_ =	sdelay $0x4  }
0x337: {  	v63 =	vperm.xlane v3, v0;
	_ =	sdelay $0x1  }
0x338: {  	v3 =	vperm.xlane v3, v2;
	v4 =	vadd.s32 v1, v63;
	_ =	sdelay $0x1  }
0x339: {  	p0 =	sne.s32 s26, $0x2D;
	s9 =	sadd.s32 $0x3, s9;
	v3 =	vadd.s32 v1, v3  }
.Ltmp0:
0x33a: {  	s26 =	sadd.s32 $0x3, s26;
	s28 =	sadd.s32 $0x1800, s28;
	(pc) =	sbr.rel @p0 .LBB2_2-.Ltmp0, $4  }
0x33b: {  	s14 =	sadd.s32 $0x3, s14;
	s30 =	sadd.s32 $0x1800, s30;
	s10 =	sadd.s32 $0x3, s10  }
0x33c: {  	[tilespmem:s16], [sflag:$0x3] =	stream.indirect_vreg.gather [hbm4b:s2+s4], $0x80, v4, vm0, $0xb8;
	[tilespmem:$0x1B400] =	vst v63  }
0x33d: {  	s0 =	sadd.s32 $0x1800, s0;
	s11 =	simm.s32 $0x13400;
	s22 =	sadd.s32 $0x300, s22  }
0x33e: {  	[tilespmem:s19], [sflag:$0x3] =	stream.indirect_vreg.gather [hbm4b:s2+s4], $0x80, v3, vm0, $0xb8;
	[tilespmem:$0x1B400] =	vst v63  }
0x33f: {  	_ =	swait.ge [sflag:s20], $0x8000  }
0x340: {  	[sflag:s20] =	ssyncset.done $0x0  }
0x341: {  	s0 =	rddreg [dreg:$0x7];
	[sflag:s20] =	ssyncadd.s32 $0xFFFF8000  }
0x342: {  	[hbm4b:s0+s24] =	stream.strided.scatter [tilespmem:s11], [sflag:$0x6], $0x8000, s15, s24, $0x38;
	[tilespmem:$0x1B400] =	vst v63  }
0x343: {  	_ =	swait.ge [sflag:s8], $0x8000  }
0x344: {  	[sflag:s8] =	ssyncset.done $0x0  }
0x345: {  	[sflag:s8] =	ssyncadd.s32 $0xFFFF8000  }
0x346: {  	v3 =	vld [tilespmem:$0x3300];
	_ =	sdelay $0x4  }
0x347: {  	v4 =	vperm.xlane v3, v0;
	_ =	sdelay $0x1  }
0x348: {  	v3 =	vperm.xlane v3, v2;
	v4 =	vadd.s32 v1, v4;
	_ =	sdelay $0x1  }
0x349: {  	v3 =	vadd.s32 v1, v3;
	_ =	sdelay $0x1  }
0x34a: {  	s7 =	simm.s32 $0x3400  }
0x34b: {  	[tilespmem:s7], [sflag:$0x1] =	stream.indirect_vreg.gather [hbm4b:s2+s4], $0x80, v4, vm0, $0xb8;
	[tilespmem:$0x1B400] =	vst v63  }
0x34c: {  	s13 =	simm.s32 $0x3C00  }
0x34d: {  	[tilespmem:s13], [sflag:$0x1] =	stream.indirect_vreg.gather [hbm4b:s2+s4], $0x80, v3, vm0, $0xb8;
	[tilespmem:$0x1B400] =	vst v63  }
0x34e: {  	v3 =	vld [tilespmem:$0x3310];
	_ =	sdelay $0x4  }
0x34f: {  	v49 =	vperm.xlane v3, v0;
	_ =	sdelay $0x1  }
0x350: {  	v3 =	vperm.xlane v3, v2;
	v4 =	vadd.s32 v1, v49;
	_ =	sdelay $0x1  }
0x351: {  	v3 =	vadd.s32 v1, v3;
	_ =	sdelay $0x1  }
0x352: {  	s14 =	simm.s32 $0x4400  }
0x353: {  	[tilespmem:s14], [sflag:$0x1] =	stream.indirect_vreg.gather [hbm4b:s2+s4], $0x80, v4, vm0, $0xb8;
	[tilespmem:$0x1B400] =	vst v63  }
0x354: {  	s16 =	simm.s32 $0x4C00  }
0x355: {  	[tilespmem:s16], [sflag:$0x1] =	stream.indirect_vreg.gather [hbm4b:s2+s4], $0x80, v3, vm0, $0xb8;
	[tilespmem:$0x1B400] =	vst v63  }
0x356: {  	v3 =	vld [tilespmem:$0x3320];
	_ =	sdelay $0x4  }
0x357: {  	v50 =	vperm.xlane v3, v0;
	_ =	sdelay $0x1  }
0x358: {  	v3 =	vperm.xlane v3, v2;
	v4 =	vadd.s32 v1, v50;
	_ =	sdelay $0x1  }
0x359: {  	v3 =	vadd.s32 v1, v3;
	_ =	sdelay $0x1  }
0x35a: {  	s17 =	simm.s32 $0x5400  }
0x35b: {  	[tilespmem:s17], [sflag:$0x1] =	stream.indirect_vreg.gather [hbm4b:s2+s4], $0x80, v4, vm0, $0xb8;
	[tilespmem:$0x1B400] =	vst v63  }
0x35c: {  	s18 =	simm.s32 $0x5C00  }
0x35d: {  	[tilespmem:s18], [sflag:$0x1] =	stream.indirect_vreg.gather [hbm4b:s2+s4], $0x80, v3, vm0, $0xb8;
	[tilespmem:$0x1B400] =	vst v63  }
0x35e: {  	v3 =	vld [tilespmem:$0x3330];
	_ =	sdelay $0x4  }
0x35f: {  	v51 =	vperm.xlane v3, v0;
	_ =	sdelay $0x1  }
0x360: {  	v3 =	vperm.xlane v3, v2;
	v4 =	vadd.s32 v1, v51;
	_ =	sdelay $0x1  }
0x361: {  	v3 =	vadd.s32 v1, v3;
	_ =	sdelay $0x1  }
0x362: {  	s19 =	simm.s32 $0x6400  }
0x363: {  	[tilespmem:s19], [sflag:$0x1] =	stream.indirect_vreg.gather [hbm4b:s2+s4], $0x80, v4, vm0, $0xb8;
	[tilespmem:$0x1B400] =	vst v63  }
0x364: {  	s22 =	simm.s32 $0x6C00  }
0x365: {  	[tilespmem:s22], [sflag:$0x1] =	stream.indirect_vreg.gather [hbm4b:s2+s4], $0x80, v3, vm0, $0xb8;
	[tilespmem:$0x1B400] =	vst v63  }
0x366: {  	v3 =	vld [tilespmem:$0x3340];
	_ =	sdelay $0x4  }
0x367: {  	v52 =	vperm.xlane v3, v0;
	_ =	sdelay $0x1  }
0x368: {  	v3 =	vperm.xlane v3, v2;
	v4 =	vadd.s32 v1, v52;
	_ =	sdelay $0x1  }
0x369: {  	v3 =	vadd.s32 v1, v3;
	_ =	sdelay $0x1  }
0x36a: {  	s26 =	simm.s32 $0x7400  }
0x36b: {  	[tilespmem:s26], [sflag:$0x1] =	stream.indirect_vreg.gather [hbm4b:s2+s4], $0x80, v4, vm0, $0xb8;
	[tilespmem:$0x1B400] =	vst v63  }
0x36c: {  	s30 =	simm.s32 $0x7C00  }
0x36d: {  	[tilespmem:s30], [sflag:$0x1] =	stream.indirect_vreg.gather [hbm4b:s2+s4], $0x80, v3, vm0, $0xb8;
	[tilespmem:$0x1B400] =	vst v63  }
0x36e: {  	v3 =	vld [tilespmem:$0x3350];
	_ =	sdelay $0x4  }
0x36f: {  	v53 =	vperm.xlane v3, v0;
	_ =	sdelay $0x1  }
0x370: {  	v3 =	vperm.xlane v3, v2;
	v4 =	vadd.s32 v1, v53;
	_ =	sdelay $0x1  }
0x371: {  	v3 =	vadd.s32 v1, v3;
	_ =	sdelay $0x1  }
0x372: {  	s9 =	simm.s32 $0x8400  }
0x373: {  	[tilespmem:s9], [sflag:$0x1] =	stream.indirect_vreg.gather [hbm4b:s2+s4], $0x80, v4, vm0, $0xb8;
	[tilespmem:$0x1B400] =	vst v63  }
0x374: {  	s10 =	simm.s32 $0x8C00  }
0x375: {  	[tilespmem:s10], [sflag:$0x1] =	stream.indirect_vreg.gather [hbm4b:s2+s4], $0x80, v3, vm0, $0xb8;
	[tilespmem:$0x1B400] =	vst v63  }
0x376: {  	v3 =	vld [tilespmem:$0x3360];
	_ =	sdelay $0x4  }
0x377: {  	v54 =	vperm.xlane v3, v0;
	_ =	sdelay $0x1  }
0x378: {  	v3 =	vperm.xlane v3, v2;
	v4 =	vadd.s32 v1, v54;
	_ =	sdelay $0x1  }
0x379: {  	v3 =	vadd.s32 v1, v3;
	_ =	sdelay $0x1  }
0x37a: {  	s12 =	simm.s32 $0x9400  }
0x37b: {  	[tilespmem:s12], [sflag:$0x1] =	stream.indirect_vreg.gather [hbm4b:s2+s4], $0x80, v4, vm0, $0xb8;
	[tilespmem:$0x1B400] =	vst v63  }
0x37c: {  	s13 =	simm.s32 $0x9C00  }
0x37d: {  	[tilespmem:s13], [sflag:$0x1] =	stream.indirect_vreg.gather [hbm4b:s2+s4], $0x80, v3, vm0, $0xb8;
	[tilespmem:$0x1B400] =	vst v63  }
0x37e: {  	v3 =	vld [tilespmem:$0x3370];
	_ =	sdelay $0x4  }
0x37f: {  	v55 =	vperm.xlane v3, v0;
	_ =	sdelay $0x1  }
0x380: {  	v3 =	vperm.xlane v3, v2;
	v4 =	vadd.s32 v1, v55;
	_ =	sdelay $0x1  }
0x381: {  	v3 =	vadd.s32 v1, v3;
	_ =	sdelay $0x1  }
0x382: {  	s14 =	simm.s32 $0xA400  }
0x383: {  	[tilespmem:s14], [sflag:$0x1] =	stream.indirect_vreg.gather [hbm4b:s2+s4], $0x80, v4, vm0, $0xb8;
	[tilespmem:$0x1B400] =	vst v63  }
0x384: {  	s16 =	simm.s32 $0xAC00  }
0x385: {  	[tilespmem:s16], [sflag:$0x1] =	stream.indirect_vreg.gather [hbm4b:s2+s4], $0x80, v3, vm0, $0xb8;
	[tilespmem:$0x1B400] =	vst v63  }
0x386: {  	v3 =	vld [tilespmem:$0x3380];
	_ =	sdelay $0x4  }
0x387: {  	v56 =	vperm.xlane v3, v0;
	_ =	sdelay $0x1  }
0x388: {  	v3 =	vperm.xlane v3, v2;
	v4 =	vadd.s32 v1, v56;
	_ =	sdelay $0x1  }
0x389: {  	v3 =	vadd.s32 v1, v3;
	_ =	sdelay $0x1  }
0x38a: {  	s17 =	simm.s32 $0x3800  }
0x38b: {  	[tilespmem:s17], [sflag:$0x1] =	stream.indirect_vreg.gather [hbm4b:s2+s4], $0x80, v4, vm0, $0xb8;
	[tilespmem:$0x1B400] =	vst v63  }
0x38c: {  	s18 =	simm.s32 $0x4000  }
0x38d: {  	[tilespmem:s18], [sflag:$0x1] =	stream.indirect_vreg.gather [hbm4b:s2+s4], $0x80, v3, vm0, $0xb8;
	[tilespmem:$0x1B400] =	vst v63  }
0x38e: {  	v3 =	vld [tilespmem:$0x3390];
	_ =	sdelay $0x4  }
0x38f: {  	v57 =	vperm.xlane v3, v0;
	_ =	sdelay $0x1  }
0x390: {  	v3 =	vperm.xlane v3, v2;
	v4 =	vadd.s32 v1, v57;
	_ =	sdelay $0x1  }
0x391: {  	v3 =	vadd.s32 v1, v3;
	_ =	sdelay $0x1  }
0x392: {  	s19 =	simm.s32 $0x4800  }
0x393: {  	[tilespmem:s19], [sflag:$0x1] =	stream.indirect_vreg.gather [hbm4b:s2+s4], $0x80, v4, vm0, $0xb8;
	[tilespmem:$0x1B400] =	vst v63  }
0x394: {  	s22 =	simm.s32 $0x5000  }
0x395: {  	[tilespmem:s22], [sflag:$0x1] =	stream.indirect_vreg.gather [hbm4b:s2+s4], $0x80, v3, vm0, $0xb8;
	[tilespmem:$0x1B400] =	vst v63  }
0x396: {  	v3 =	vld [tilespmem:$0x33A0];
	_ =	sdelay $0x4  }
0x397: {  	v58 =	vperm.xlane v3, v0;
	_ =	sdelay $0x1  }
0x398: {  	v3 =	vperm.xlane v3, v2;
	v4 =	vadd.s32 v1, v58;
	_ =	sdelay $0x1  }
0x399: {  	v3 =	vadd.s32 v1, v3;
	_ =	sdelay $0x1  }
0x39a: {  	s26 =	simm.s32 $0x5800  }
0x39b: {  	[tilespmem:s26], [sflag:$0x1] =	stream.indirect_vreg.gather [hbm4b:s2+s4], $0x80, v4, vm0, $0xb8;
	[tilespmem:$0x1B400] =	vst v63  }
0x39c: {  	s30 =	simm.s32 $0x6000  }
0x39d: {  	[tilespmem:s30], [sflag:$0x1] =	stream.indirect_vreg.gather [hbm4b:s2+s4], $0x80, v3, vm0, $0xb8;
	[tilespmem:$0x1B400] =	vst v63  }
0x39e: {  	v3 =	vld [tilespmem:$0x33B0];
	_ =	sdelay $0x4  }
0x39f: {  	v59 =	vperm.xlane v3, v0;
	_ =	sdelay $0x1  }
0x3a0: {  	v3 =	vperm.xlane v3, v2;
	v4 =	vadd.s32 v1, v59;
	_ =	sdelay $0x1  }
0x3a1: {  	v3 =	vadd.s32 v1, v3;
	_ =	sdelay $0x2  }
0x3a2: {  	[tilespmem:s15], [sflag:$0x1] =	stream.indirect_vreg.gather [hbm4b:s2+s4], $0x80, v4, vm0, $0xb8;
	[tilespmem:$0x1B400] =	vst v63  }
0x3a3: {  	s9 =	simm.s32 $0x7000  }
0x3a4: {  	[tilespmem:s9], [sflag:$0x1] =	stream.indirect_vreg.gather [hbm4b:s2+s4], $0x80, v3, vm0, $0xb8;
	[tilespmem:$0x1B400] =	vst v63  }
0x3a5: {  	v3 =	vld [tilespmem:$0x33C0];
	_ =	sdelay $0x4  }
0x3a6: {  	v60 =	vperm.xlane v3, v0;
	_ =	sdelay $0x1  }
0x3a7: {  	v3 =	vperm.xlane v3, v2;
	v4 =	vadd.s32 v1, v60;
	_ =	sdelay $0x1  }
0x3a8: {  	v3 =	vadd.s32 v1, v3;
	_ =	sdelay $0x1  }
0x3a9: {  	s10 =	simm.s32 $0x7800  }
0x3aa: {  	[tilespmem:s10], [sflag:$0x1] =	stream.indirect_vreg.gather [hbm4b:s2+s4], $0x80, v4, vm0, $0xb8;
	[tilespmem:$0x1B400] =	vst v63  }
0x3ab: {  	s12 =	simm.s32 $0x8000  }
0x3ac: {  	[tilespmem:s12], [sflag:$0x1] =	stream.indirect_vreg.gather [hbm4b:s2+s4], $0x80, v3, vm0, $0xb8;
	[tilespmem:$0x1B400] =	vst v63  }
0x3ad: {  	v3 =	vld [tilespmem:$0x33D0];
	_ =	sdelay $0x4  }
0x3ae: {  	v61 =	vperm.xlane v3, v0;
	_ =	sdelay $0x1  }
0x3af: {  	v3 =	vperm.xlane v3, v2;
	v4 =	vadd.s32 v1, v61;
	_ =	sdelay $0x1  }
0x3b0: {  	v3 =	vadd.s32 v1, v3;
	_ =	sdelay $0x1  }
0x3b1: {  	s13 =	simm.s32 $0x8800  }
0x3b2: {  	[tilespmem:s13], [sflag:$0x1] =	stream.indirect_vreg.gather [hbm4b:s2+s4], $0x80, v4, vm0, $0xb8;
	[tilespmem:$0x1B400] =	vst v63  }
0x3b3: {  	s14 =	simm.s32 $0x9000  }
0x3b4: {  	[tilespmem:s14], [sflag:$0x1] =	stream.indirect_vreg.gather [hbm4b:s2+s4], $0x80, v3, vm0, $0xb8;
	[tilespmem:$0x1B400] =	vst v63  }
0x3b5: {  	v3 =	vld [tilespmem:$0x33E0];
	_ =	sdelay $0x4  }
0x3b6: {  	v62 =	vperm.xlane v3, v0;
	_ =	sdelay $0x1  }
0x3b7: {  	v3 =	vperm.xlane v3, v2;
	v4 =	vadd.s32 v1, v62;
	_ =	sdelay $0x1  }
0x3b8: {  	v3 =	vadd.s32 v1, v3;
	_ =	sdelay $0x1  }
0x3b9: {  	s16 =	simm.s32 $0x9800  }
0x3ba: {  	[tilespmem:s16], [sflag:$0x1] =	stream.indirect_vreg.gather [hbm4b:s2+s4], $0x80, v4, vm0, $0xb8;
	[tilespmem:$0x1B400] =	vst v63  }
0x3bb: {  	s17 =	simm.s32 $0xA000  }
0x3bc: {  	[tilespmem:s17], [sflag:$0x1] =	stream.indirect_vreg.gather [hbm4b:s2+s4], $0x80, v3, vm0, $0xb8;
	[tilespmem:$0x1B400] =	vst v63  }
0x3bd: {  	v3 =	vld [tilespmem:$0x33F0];
	_ =	sdelay $0x4  }
0x3be: {  	v63 =	vperm.xlane v3, v0;
	_ =	sdelay $0x1  }
0x3bf: {  	v3 =	vperm.xlane v3, v2;
	v4 =	vadd.s32 v1, v63;
	_ =	sdelay $0x1  }
0x3c0: {  	v3 =	vadd.s32 v1, v3;
	_ =	sdelay $0x1  }
0x3c1: {  	s18 =	simm.s32 $0xA800  }
0x3c2: {  	[tilespmem:s18], [sflag:$0x1] =	stream.indirect_vreg.gather [hbm4b:s2+s4], $0x80, v4, vm0, $0xb8;
	[tilespmem:$0x1B400] =	vst v63  }
0x3c3: {  	s19 =	simm.s32 $0xB000  }
0x3c4: {  	[tilespmem:s19], [sflag:$0x1] =	stream.indirect_vreg.gather [hbm4b:s2+s4], $0x80, v3, vm0, $0xb8;
	[tilespmem:$0x1B400] =	vst v63  }
0x3c5: {  	_ =	swait.ge [sflag:s23], $0x8000  }
0x3c6: {  	[sflag:s23] =	ssyncset.done $0x0  }
0x3c7: {  	s22 =	rddreg [dreg:$0x8];
	[sflag:s23] =	ssyncadd.s32 $0xFFFF8000  }
0x3c8: {  	[hbm4b:s22+s24] =	stream.strided.scatter [tilespmem:s7], [sflag:$0x4], $0x8000, s15, s24, $0x38;
	[tilespmem:$0x1B400] =	vst v63  }
0x3c9: {  	_ =	swait.ge [sflag:s21], $0x8000  }
0x3ca: {  	[sflag:s21] =	ssyncset.done $0x0  }
0x3cb: {  	[sflag:s21] =	ssyncadd.s32 $0xFFFF8000  }
0x3cc: {  	_ =	swait.ge [sflag:s1], $0x8000  }
0x3cd: {  	[sflag:s1] =	ssyncset.done $0x0  }
0x3ce: {  	[sflag:s1] =	ssyncadd.s32 $0xFFFF8000  }
0x3cf: {  	_ =	swait.ge [sflag:s8], $0x8000  }
0x3d0: {  	s28 =	simm.s32 $0x12400;
	s26 =	rddreg [dreg:$0x10]  }
0x3d1: {  	s29 =	simm.s32 $0x12C00;
	s30 =	rddreg [dreg:$0x9];
	s7 =	sadd.s32 $0x1, s26  }
0x3d2: {  	s31 =	simm.s32 $0xC000;
	s9 =	simm.s32 $0xC400;
	p0 =	sne.s32 s7, s30  }
.Ltmp1:
0x3d3: {  	s10 =	simm.s32 $0xCC00;
	s12 =	simm.s32 $0xE400;
	(pc) =	sbr.rel @p0 .LBB2_1-.Ltmp1, $4  }
0x3d4: {  	s13 =	simm.s32 $0xEC00;
	s14 =	simm.s32 $0xF400;
	s16 =	simm.s32 $0x10400  }
0x3d5: {  	s17 =	simm.s32 $0xFC00;
	s18 =	simm.s32 $0xD400;
	[sflag:s8] =	ssyncset.done $0x0  }
0x3d6: {  	s19 =	simm.s32 $0x10C00;
	s22 =	simm.s32 $0x11400;
	[sflag:s8] =	ssyncadd.s32 $0xFFFF8000  }
0x3d7: {  	s26 =	simm.s32 $0x11C00;
	[dreg:$0x10] =	wrdreg s7;
	s7 =	simm.s32 $0xDC00  }
0x3d8: {  	_ =	sfence.sel $0x180000  }
0x3d9: {  	[bflag:$0x0] =	sbarrier.arrive $0xFFFF  }
0x3da: {  	_ =	strace $0x90000047  }
0x3db: {  	s0 =	stileid.u32;
	[bflag:$0x2] =	sbarrier.arrive $0xFFFF  }
0x3dc: {  	p0 =	sne.s32 s0, $0x0;
	s0 =	rddreg [dreg:$0x3]  }
0x3dd: {  	s0 =	sadd.s32 @!p0 $0x100000, s0  }
0x3de: {  	[sflag:s0] =	ssyncadd.tile.s32 @!p0 $0x1;
	_ =	shalt  }
.Lfunc_end2:
_tile_overlayer_lowered:
.L_overlay_start_2:
0x3df: {  	(tag) =	ssettag $0x2  }
0x3e0: {  	s0 =	rddreg [dreg:$0x0];
	s2 =	stileid.u32  }
0x3e1: {  	s1 =	rddreg [dreg:$0x1];
	p0 =	sne.s32 s2, $0x0  }
0x3e2: {  	s3 =	rddreg [dreg:$0x2];
	[bflag:$0x3] =	sbarrier.arrive $0xFFFF;
	s2 =	simm.s32 @!p0 $0x1C07  }
0x3e3: {  	[timem:s3], [sflag:s2] =	dma.local @!p0 [hbm:s0], s1  }
0x3e4: {  	s0 =	simm.s32 @!p0 $0x7  }
0x3e5: {  	_ =	swait.ge @!p0 [sflag:s0], s1  }
0x3e6: {  	s1 =	ssub.s32 @!p0 $0x0, s1;
	[sflag:s0] =	ssyncset.done @!p0 $0x0  }
0x3e7: {  	[sflag:s0] =	ssyncadd.s32 @!p0 s1  }
0x3e8: {  	[bflag:$0x3] =	sbarrier.arrive $0xFFFF  }
0x3e9: {  	_ =	shalt  }

</sc_bundles>
